<compile_context>
chip_gen: v7x
topology: tpu7x:2x2x1
jax: 0.10.2.dev20260603
libtpu: 0.0.44.dev20260713+nightly
codegen_flags: <defaults>
</compile_context>

<pallas_src>
import functools

import jax
import jax.numpy as jnp
from jax import lax
from jax.experimental import pallas as pl
from jax.experimental.pallas import tpu as pltpu
from jax.experimental.pallas import tpu_sc as plsc


def kernel(positions, table):
    Bb, Ll = positions.shape
    V, D = table.shape
    B = Bb * Ll
    info = plsc.get_sparse_core_info()
    NC, NS = info.num_cores, info.num_subcores
    nw = NC * NS
    C = 64
    NBUF = 10
    b_per_w = B // nw
    n_chunks = b_per_w // C
    assert b_per_w * nw == B and n_chunks * C == b_per_w
    assert n_chunks % NBUF == 0

    idx = positions.reshape(nw, n_chunks, C).astype(jnp.int32)
    mesh = plsc.VectorSubcoreMesh(core_axis_name="c", subcore_axis_name="s")

    @functools.partial(
        pl.kernel,
        mesh=mesh,
        out_type=jax.ShapeDtypeStruct((B, D), jnp.float32),
        scratch_types=[
            pltpu.VMEM((n_chunks, C), jnp.int32),
            pltpu.VMEM((NBUF, C, D), jnp.float32),
            pltpu.VMEM_SHARED((V, D), jnp.float32),
            pltpu.SemaphoreType.DMA((NBUF,)),
            pltpu.SemaphoreType.DMA((NBUF,)),
        ],
    )
    def gather_kernel(idx_hbm, table_hbm, out_hbm, idx_v, rows, tshared, gsem, ssem):
        sid = lax.axis_index("s")
        wid = sid * NC + lax.axis_index("c")
        base = wid * b_per_w
        rpt = V // NS
        pltpu.sync_copy(
            table_hbm.at[pl.ds(sid * rpt, rpt)], tshared.at[pl.ds(sid * rpt, rpt)]
        )
        pltpu.sync_copy(idx_hbm.at[wid], idx_v)
        plsc.subcore_barrier()

        def gather_start(chunk, buf):
            pltpu.async_copy(
                tshared.at[idx_v.at[chunk]], rows.at[buf], gsem.at[buf]
            )

        def gather_wait(chunk, buf):
            pltpu.make_async_copy(
                tshared.at[idx_v.at[chunk]], rows.at[buf], gsem.at[buf]
            ).wait()

        def store_start(chunk, buf):
            pltpu.async_copy(
                rows.at[buf], out_hbm.at[pl.ds(base + chunk * C, C)], ssem.at[buf]
            )

        def store_wait(chunk, buf):
            pltpu.make_async_copy(
                rows.at[buf], out_hbm.at[pl.ds(base + chunk * C, C)], ssem.at[buf]
            ).wait()

        for b in range(NBUF - 1):
            gather_start(b, b)

        def body(g, carry):
            i0 = g * NBUF
            for b in range(NBUF):
                i = i0 + b
                bprev = (b - 1) % NBUF
                gather_wait(i, b)
                store_start(i, b)
                j = i + NBUF - 1
                if b == 0:
                    pl.when(g > 0)(lambda: store_wait(i - 1, bprev))
                else:
                    store_wait(i - 1, bprev)
                pl.when(j < n_chunks)(lambda: gather_start(j, bprev))
            return carry

        lax.fori_loop(0, n_chunks // NBUF, body, 0)
        store_wait(n_chunks - 1, (n_chunks - 1) % NBUF)

    out = gather_kernel(idx, table)
    return out.reshape(Bb, Ll, D)

# --- scband reference (transcript-rebuilt; emitter-appended) ---
"""Pipeline reference for scband-positional-embedding-73100343377951 (READ-ONLY COPY).

The authoritative reference and input builder live on the scoring server;
editing this copy changes nothing except your own understanding.
"""

import jax, jax.numpy as jnp
import numpy as np

SEQ_LEN = 2048
EMBED_DIM = 128
BATCH = 1024
L = 200

def setup_inputs(seed: int = 0) -> dict:
    key = jax.random.key(seed)
    k1, k2 = jax.random.split(key)
    positions = jax.random.randint(k1, (BATCH, L), 0, SEQ_LEN, dtype=jnp.int64 if jax.config.jax_enable_x64 else jnp.int32)
    table = jax.random.normal(k2, (SEQ_LEN, EMBED_DIM), dtype=jnp.float32) * 0.02
    return {"positions": positions, "table": table}

def reference(positions, table):
    # Faithful core of PositionalEmbedding.forward: the module builds an
    # int index tensor of shape [batch, L] (positions per token, reset at
    # separator tokens) and performs nn.Embedding lookup into a table of
    # shape [seq_len, embedding_dim]. The index construction from raw
    # strings is host-side preprocessing; the device op is the gather.
    return jnp.take(table, positions, axis=0)

if __name__ == "__main__":
    import jax
    _d = setup_inputs()
    print(jax.jit(kernel)(*tuple(_d.values())))

</pallas_src>

<mosaic_0001>
#map = affine_map<(d0, d1) -> (0, 0, 0)>
#map1 = affine_map<(d0, d1) -> (0, 0)>
module attributes {stable_mosaic.version = 14 : i64} {
  func.func @gather_kernel(%arg0: i32, %arg1: i32, %arg2: memref<32x100x64xi32, #tpu.memory_space<hbm>>, %arg3: memref<2048x128xf32, #tpu.memory_space<hbm>>, %arg4: memref<204800x128xf32, #tpu.memory_space<hbm>>, %arg5: memref<100x64xi32, #tpu.memory_space<vmem>>, %arg6: memref<10x64x128xf32, #tpu.memory_space<vmem>>, %arg7: memref<2048x128xf32, #tpu.memory_space<vmem_shared>>, %arg8: memref<10x!tpu.dma_semaphore, #tpu.memory_space<semaphore_mem>>, %arg9: memref<10x!tpu.dma_semaphore, #tpu.memory_space<semaphore_mem>>) attributes {dimension_semantics = [#tpu.dimension_semantics<core_parallel>, #tpu.dimension_semantics<subcore_parallel>], iteration_bounds = array<i64: 2, 16>, scalar_prefetch = 0 : i64, scratch_operands = 5 : i64, tpu.core_type = #tpu.core_type<sc_vector_subcore>, window_params = [{transform_indices = #map}, {transform_indices = #map1}, {transform_indices = #map1}]} {
    %mul3A = arith.constant 2 : i32
    %mul3A_0 = arith.muli %arg1, %mul3A : i32
    %add3A = arith.addi %mul3A_0, %arg0 : i32
    %mul3A_1 = arith.constant 6400 : i32
    %mul3A_2 = arith.muli %add3A, %mul3A_1 : i32
    %mul3A_3 = arith.constant 128 : i32
    %mul3A_4 = arith.muli %arg1, %mul3A_3 : i32
    %mul3A_5 = arith.constant 128 : i32
    %mul3A_6 = arith.muli %arg1, %mul3A_5 : i32
    "tpu.region"() ({
      %run_scoped3A = tpu.sem_alloc : memref<!tpu.dma_semaphore, #tpu.memory_space<semaphore_mem>>
      %dma_start3A_163 = arith.constant 0 : i32
      %dma_start3A_164 = tpu.memref_slice %arg7[%mul3A_6, %dma_start3A_163] : memref<2048x128xf32, #tpu.memory_space<vmem_shared>> -> memref<128x128xf32, #tpu.memory_space<vmem_shared>>
      %dma_start3A_165 = arith.constant 0 : i32
      %dma_start3A_166 = tpu.memref_slice %arg3[%mul3A_4, %dma_start3A_165] : memref<2048x128xf32, #tpu.memory_space<hbm>> -> memref<128x128xf32, #tpu.memory_space<hbm>>
      tpu.enqueue_dma source(%dma_start3A_166 : memref<128x128xf32, #tpu.memory_space<hbm>>) target(%dma_start3A_164 : memref<128x128xf32, #tpu.memory_space<vmem_shared>>) target_semaphore(%run_scoped3A : memref<!tpu.dma_semaphore, #tpu.memory_space<semaphore_mem>>)
      %dma_wait3A_167 = arith.constant 0 : i32
      %dma_wait3A_168 = tpu.memref_slice %arg7[%mul3A_6, %dma_wait3A_167] : memref<2048x128xf32, #tpu.memory_space<vmem_shared>> -> memref<128x128xf32, #tpu.memory_space<vmem_shared>>
      %dma_wait3A_169 = arith.constant 0 : i32
      %dma_wait3A_170 = tpu.memref_slice %arg3[%mul3A_4, %dma_wait3A_169] : memref<2048x128xf32, #tpu.memory_space<hbm>> -> memref<128x128xf32, #tpu.memory_space<hbm>>
      tpu.wait_dma2 semaphore(%run_scoped3A : memref<!tpu.dma_semaphore, #tpu.memory_space<semaphore_mem>>) src(%dma_wait3A_170 : memref<128x128xf32, #tpu.memory_space<hbm>>) dst(%dma_wait3A_168 : memref<128x128xf32, #tpu.memory_space<vmem_shared>>)
      tpu.yield
    }) : () -> ()
    "tpu.region"() ({
      %run_scoped3A = tpu.sem_alloc : memref<!tpu.dma_semaphore, #tpu.memory_space<semaphore_mem>>
      %dma_start3A_163 = arith.constant 0 : i32
      %dma_start3A_164 = arith.constant 0 : i32
      %dma_start3A_165 = tpu.memref_slice %arg2[%add3A, %dma_start3A_163, %dma_start3A_164] : memref<32x100x64xi32, #tpu.memory_space<hbm>> -> memref<1x100x64xi32, #tpu.memory_space<hbm>>
      %dma_start3A_166 = tpu.memref_squeeze %dma_start3A_165 : memref<1x100x64xi32, #tpu.memory_space<hbm>> -> memref<100x64xi32, #tpu.memory_space<hbm>>
      %dma_start3A_167 = arith.constant 0 : i32
      %dma_start3A_168 = arith.constant 0 : i32
      %dma_start3A_169 = tpu.memref_slice %arg2[%add3A, %dma_start3A_167, %dma_start3A_168] : memref<32x100x64xi32, #tpu.memory_space<hbm>> -> memref<1x100x64xi32, #tpu.memory_space<hbm>>
      %dma_start3A_170 = tpu.memref_squeeze %dma_start3A_169 : memref<1x100x64xi32, #tpu.memory_space<hbm>> -> memref<100x64xi32, #tpu.memory_space<hbm>>
      tpu.enqueue_dma source(%dma_start3A_170 : memref<100x64xi32, #tpu.memory_space<hbm>>) target(%arg5 : memref<100x64xi32, #tpu.memory_space<vmem>>) target_semaphore(%run_scoped3A : memref<!tpu.dma_semaphore, #tpu.memory_space<semaphore_mem>>)
      %dma_wait3A_171 = arith.constant 0 : i32
      %dma_wait3A_172 = arith.constant 0 : i32
      %dma_wait3A_173 = tpu.memref_slice %arg2[%add3A, %dma_wait3A_171, %dma_wait3A_172] : memref<32x100x64xi32, #tpu.memory_space<hbm>> -> memref<1x100x64xi32, #tpu.memory_space<hbm>>
      %dma_wait3A_174 = tpu.memref_squeeze %dma_wait3A_173 : memref<1x100x64xi32, #tpu.memory_space<hbm>> -> memref<100x64xi32, #tpu.memory_space<hbm>>
      %dma_wait3A_175 = arith.constant 0 : i32
      %dma_wait3A_176 = arith.constant 0 : i32
      %dma_wait3A_177 = tpu.memref_slice %arg2[%add3A, %dma_wait3A_175, %dma_wait3A_176] : memref<32x100x64xi32, #tpu.memory_space<hbm>> -> memref<1x100x64xi32, #tpu.memory_space<hbm>>
      %dma_wait3A_178 = tpu.memref_squeeze %dma_wait3A_177 : memref<1x100x64xi32, #tpu.memory_space<hbm>> -> memref<100x64xi32, #tpu.memory_space<hbm>>
      tpu.wait_dma2 semaphore(%run_scoped3A : memref<!tpu.dma_semaphore, #tpu.memory_space<semaphore_mem>>) src(%dma_wait3A_178 : memref<100x64xi32, #tpu.memory_space<hbm>>) dst(%arg5 : memref<100x64xi32, #tpu.memory_space<vmem>>)
      tpu.yield
    }) : () -> ()
    %barrier3A = arith.constant 0 : index
    tpu.barrier barrier_id(%barrier3A)
    %dma_start3A = arith.constant 0 : i32
    %dma_start3A_7 = arith.constant 0 : i32
    %dma_start3A_8 = arith.constant 0 : i32
    %dma_start3A_9 = arith.constant 0 : i32
    %dma_start3A_10 = arith.constant 0 : i32
    %dma_start3A_11 = tpu.memref_slice %arg6[%dma_start3A_7, %dma_start3A_9, %dma_start3A_10] : memref<10x64x128xf32, #tpu.memory_space<vmem>> -> memref<1x64x128xf32, #tpu.memory_space<vmem>>
    %dma_start3A_12 = tpu.memref_squeeze %dma_start3A_11 : memref<1x64x128xf32, #tpu.memory_space<vmem>> -> memref<64x128xf32, #tpu.memory_space<vmem>>
    %dma_start3A_13 = arith.constant 0 : i32
    %dma_start3A_14 = tpu.memref_slice %arg5[%dma_start3A, %dma_start3A_13] : memref<100x64xi32, #tpu.memory_space<vmem>> -> memref<1x64xi32, #tpu.memory_space<vmem>>
    %dma_start3A_15 = tpu.memref_squeeze %dma_start3A_14 : memref<1x64xi32, #tpu.memory_space<vmem>> -> memref<64xi32, #tpu.memory_space<vmem>>
    %dma_start3A_16 = arith.constant 0 : i32
    %dma_start3A_17 = arith.constant 0 : i32
    %dma_start3A_18 = tpu.memref_slice %arg7[%dma_start3A_16, %dma_start3A_17] : memref<2048x128xf32, #tpu.memory_space<vmem_shared>> -> memref<2048x128xf32, #tpu.memory_space<vmem_shared>>
    %dma_start3A_19 = tpu.memref_slice %arg8[%dma_start3A_8] : memref<10x!tpu.dma_semaphore, #tpu.memory_space<semaphore_mem>> -> memref<1x!tpu.dma_semaphore, #tpu.memory_space<semaphore_mem>>
    %dma_start3A_20 = tpu.memref_squeeze %dma_start3A_19 : memref<1x!tpu.dma_semaphore, #tpu.memory_space<semaphore_mem>> -> memref<!tpu.dma_semaphore, #tpu.memory_space<semaphore_mem>>
    tpu.enqueue_indirect_dma source(%dma_start3A_18 : memref<2048x128xf32, #tpu.memory_space<vmem_shared>>) target(%dma_start3A_12 : memref<64x128xf32, #tpu.memory_space<vmem>>) offsets(%dma_start3A_15 : memref<64xi32, #tpu.memory_space<vmem>>) semaphore(%dma_start3A_20 : memref<!tpu.dma_semaphore, #tpu.memory_space<semaphore_mem>>)
    %dma_start3A_21 = arith.constant 1 : i32
    %dma_start3A_22 = arith.constant 1 : i32
    %dma_start3A_23 = arith.constant 1 : i32
    %dma_start3A_24 = arith.constant 0 : i32
    %dma_start3A_25 = arith.constant 0 : i32
    %dma_start3A_26 = tpu.memref_slice %arg6[%dma_start3A_22, %dma_start3A_24, %dma_start3A_25] : memref<10x64x128xf32, #tpu.memory_space<vmem>> -> memref<1x64x128xf32, #tpu.memory_space<vmem>>
    %dma_start3A_27 = tpu.memref_squeeze %dma_start3A_26 : memref<1x64x128xf32, #tpu.memory_space<vmem>> -> memref<64x128xf32, #tpu.memory_space<vmem>>
    %dma_start3A_28 = arith.constant 0 : i32
    %dma_start3A_29 = tpu.memref_slice %arg5[%dma_start3A_21, %dma_start3A_28] : memref<100x64xi32, #tpu.memory_space<vmem>> -> memref<1x64xi32, #tpu.memory_space<vmem>>
    %dma_start3A_30 = tpu.memref_squeeze %dma_start3A_29 : memref<1x64xi32, #tpu.memory_space<vmem>> -> memref<64xi32, #tpu.memory_space<vmem>>
    %dma_start3A_31 = arith.constant 0 : i32
    %dma_start3A_32 = arith.constant 0 : i32
    %dma_start3A_33 = tpu.memref_slice %arg7[%dma_start3A_31, %dma_start3A_32] : memref<2048x128xf32, #tpu.memory_space<vmem_shared>> -> memref<2048x128xf32, #tpu.memory_space<vmem_shared>>
    %dma_start3A_34 = tpu.memref_slice %arg8[%dma_start3A_23] : memref<10x!tpu.dma_semaphore, #tpu.memory_space<semaphore_mem>> -> memref<1x!tpu.dma_semaphore, #tpu.memory_space<semaphore_mem>>
    %dma_start3A_35 = tpu.memref_squeeze %dma_start3A_34 : memref<1x!tpu.dma_semaphore, #tpu.memory_space<semaphore_mem>> -> memref<!tpu.dma_semaphore, #tpu.memory_space<semaphore_mem>>
    tpu.enqueue_indirect_dma source(%dma_start3A_33 : memref<2048x128xf32, #tpu.memory_space<vmem_shared>>) target(%dma_start3A_27 : memref<64x128xf32, #tpu.memory_space<vmem>>) offsets(%dma_start3A_30 : memref<64xi32, #tpu.memory_space<vmem>>) semaphore(%dma_start3A_35 : memref<!tpu.dma_semaphore, #tpu.memory_space<semaphore_mem>>)
    %dma_start3A_36 = arith.constant 2 : i32
    %dma_start3A_37 = arith.constant 2 : i32
    %dma_start3A_38 = arith.constant 2 : i32
    %dma_start3A_39 = arith.constant 0 : i32
    %dma_start3A_40 = arith.constant 0 : i32
    %dma_start3A_41 = tpu.memref_slice %arg6[%dma_start3A_37, %dma_start3A_39, %dma_start3A_40] : memref<10x64x128xf32, #tpu.memory_space<vmem>> -> memref<1x64x128xf32, #tpu.memory_space<vmem>>
    %dma_start3A_42 = tpu.memref_squeeze %dma_start3A_41 : memref<1x64x128xf32, #tpu.memory_space<vmem>> -> memref<64x128xf32, #tpu.memory_space<vmem>>
    %dma_start3A_43 = arith.constant 0 : i32
    %dma_start3A_44 = tpu.memref_slice %arg5[%dma_start3A_36, %dma_start3A_43] : memref<100x64xi32, #tpu.memory_space<vmem>> -> memref<1x64xi32, #tpu.memory_space<vmem>>
    %dma_start3A_45 = tpu.memref_squeeze %dma_start3A_44 : memref<1x64xi32, #tpu.memory_space<vmem>> -> memref<64xi32, #tpu.memory_space<vmem>>
    %dma_start3A_46 = arith.constant 0 : i32
    %dma_start3A_47 = arith.constant 0 : i32
    %dma_start3A_48 = tpu.memref_slice %arg7[%dma_start3A_46, %dma_start3A_47] : memref<2048x128xf32, #tpu.memory_space<vmem_shared>> -> memref<2048x128xf32, #tpu.memory_space<vmem_shared>>
    %dma_start3A_49 = tpu.memref_slice %arg8[%dma_start3A_38] : memref<10x!tpu.dma_semaphore, #tpu.memory_space<semaphore_mem>> -> memref<1x!tpu.dma_semaphore, #tpu.memory_space<semaphore_mem>>
    %dma_start3A_50 = tpu.memref_squeeze %dma_start3A_49 : memref<1x!tpu.dma_semaphore, #tpu.memory_space<semaphore_mem>> -> memref<!tpu.dma_semaphore, #tpu.memory_space<semaphore_mem>>
    tpu.enqueue_indirect_dma source(%dma_start3A_48 : memref<2048x128xf32, #tpu.memory_space<vmem_shared>>) target(%dma_start3A_42 : memref<64x128xf32, #tpu.memory_space<vmem>>) offsets(%dma_start3A_45 : memref<64xi32, #tpu.memory_space<vmem>>) semaphore(%dma_start3A_50 : memref<!tpu.dma_semaphore, #tpu.memory_space<semaphore_mem>>)
    %dma_start3A_51 = arith.constant 3 : i32
    %dma_start3A_52 = arith.constant 3 : i32
    %dma_start3A_53 = arith.constant 3 : i32
    %dma_start3A_54 = arith.constant 0 : i32
    %dma_start3A_55 = arith.constant 0 : i32
    %dma_start3A_56 = tpu.memref_slice %arg6[%dma_start3A_52, %dma_start3A_54, %dma_start3A_55] : memref<10x64x128xf32, #tpu.memory_space<vmem>> -> memref<1x64x128xf32, #tpu.memory_space<vmem>>
    %dma_start3A_57 = tpu.memref_squeeze %dma_start3A_56 : memref<1x64x128xf32, #tpu.memory_space<vmem>> -> memref<64x128xf32, #tpu.memory_space<vmem>>
    %dma_start3A_58 = arith.constant 0 : i32
    %dma_start3A_59 = tpu.memref_slice %arg5[%dma_start3A_51, %dma_start3A_58] : memref<100x64xi32, #tpu.memory_space<vmem>> -> memref<1x64xi32, #tpu.memory_space<vmem>>
    %dma_start3A_60 = tpu.memref_squeeze %dma_start3A_59 : memref<1x64xi32, #tpu.memory_space<vmem>> -> memref<64xi32, #tpu.memory_space<vmem>>
    %dma_start3A_61 = arith.constant 0 : i32
    %dma_start3A_62 = arith.constant 0 : i32
    %dma_start3A_63 = tpu.memref_slice %arg7[%dma_start3A_61, %dma_start3A_62] : memref<2048x128xf32, #tpu.memory_space<vmem_shared>> -> memref<2048x128xf32, #tpu.memory_space<vmem_shared>>
    %dma_start3A_64 = tpu.memref_slice %arg8[%dma_start3A_53] : memref<10x!tpu.dma_semaphore, #tpu.memory_space<semaphore_mem>> -> memref<1x!tpu.dma_semaphore, #tpu.memory_space<semaphore_mem>>
    %dma_start3A_65 = tpu.memref_squeeze %dma_start3A_64 : memref<1x!tpu.dma_semaphore, #tpu.memory_space<semaphore_mem>> -> memref<!tpu.dma_semaphore, #tpu.memory_space<semaphore_mem>>
    tpu.enqueue_indirect_dma source(%dma_start3A_63 : memref<2048x128xf32, #tpu.memory_space<vmem_shared>>) target(%dma_start3A_57 : memref<64x128xf32, #tpu.memory_space<vmem>>) offsets(%dma_start3A_60 : memref<64xi32, #tpu.memory_space<vmem>>) semaphore(%dma_start3A_65 : memref<!tpu.dma_semaphore, #tpu.memory_space<semaphore_mem>>)
    %dma_start3A_66 = arith.constant 4 : i32
    %dma_start3A_67 = arith.constant 4 : i32
    %dma_start3A_68 = arith.constant 4 : i32
    %dma_start3A_69 = arith.constant 0 : i32
    %dma_start3A_70 = arith.constant 0 : i32
    %dma_start3A_71 = tpu.memref_slice %arg6[%dma_start3A_67, %dma_start3A_69, %dma_start3A_70] : memref<10x64x128xf32, #tpu.memory_space<vmem>> -> memref<1x64x128xf32, #tpu.memory_space<vmem>>
    %dma_start3A_72 = tpu.memref_squeeze %dma_start3A_71 : memref<1x64x128xf32, #tpu.memory_space<vmem>> -> memref<64x128xf32, #tpu.memory_space<vmem>>
    %dma_start3A_73 = arith.constant 0 : i32
    %dma_start3A_74 = tpu.memref_slice %arg5[%dma_start3A_66, %dma_start3A_73] : memref<100x64xi32, #tpu.memory_space<vmem>> -> memref<1x64xi32, #tpu.memory_space<vmem>>
    %dma_start3A_75 = tpu.memref_squeeze %dma_start3A_74 : memref<1x64xi32, #tpu.memory_space<vmem>> -> memref<64xi32, #tpu.memory_space<vmem>>
    %dma_start3A_76 = arith.constant 0 : i32
    %dma_start3A_77 = arith.constant 0 : i32
    %dma_start3A_78 = tpu.memref_slice %arg7[%dma_start3A_76, %dma_start3A_77] : memref<2048x128xf32, #tpu.memory_space<vmem_shared>> -> memref<2048x128xf32, #tpu.memory_space<vmem_shared>>
    %dma_start3A_79 = tpu.memref_slice %arg8[%dma_start3A_68] : memref<10x!tpu.dma_semaphore, #tpu.memory_space<semaphore_mem>> -> memref<1x!tpu.dma_semaphore, #tpu.memory_space<semaphore_mem>>
    %dma_start3A_80 = tpu.memref_squeeze %dma_start3A_79 : memref<1x!tpu.dma_semaphore, #tpu.memory_space<semaphore_mem>> -> memref<!tpu.dma_semaphore, #tpu.memory_space<semaphore_mem>>
    tpu.enqueue_indirect_dma source(%dma_start3A_78 : memref<2048x128xf32, #tpu.memory_space<vmem_shared>>) target(%dma_start3A_72 : memref<64x128xf32, #tpu.memory_space<vmem>>) offsets(%dma_start3A_75 : memref<64xi32, #tpu.memory_space<vmem>>) semaphore(%dma_start3A_80 : memref<!tpu.dma_semaphore, #tpu.memory_space<semaphore_mem>>)
    %dma_start3A_81 = arith.constant 5 : i32
    %dma_start3A_82 = arith.constant 5 : i32
    %dma_start3A_83 = arith.constant 5 : i32
    %dma_start3A_84 = arith.constant 0 : i32
    %dma_start3A_85 = arith.constant 0 : i32
    %dma_start3A_86 = tpu.memref_slice %arg6[%dma_start3A_82, %dma_start3A_84, %dma_start3A_85] : memref<10x64x128xf32, #tpu.memory_space<vmem>> -> memref<1x64x128xf32, #tpu.memory_space<vmem>>
    %dma_start3A_87 = tpu.memref_squeeze %dma_start3A_86 : memref<1x64x128xf32, #tpu.memory_space<vmem>> -> memref<64x128xf32, #tpu.memory_space<vmem>>
    %dma_start3A_88 = arith.constant 0 : i32
    %dma_start3A_89 = tpu.memref_slice %arg5[%dma_start3A_81, %dma_start3A_88] : memref<100x64xi32, #tpu.memory_space<vmem>> -> memref<1x64xi32, #tpu.memory_space<vmem>>
    %dma_start3A_90 = tpu.memref_squeeze %dma_start3A_89 : memref<1x64xi32, #tpu.memory_space<vmem>> -> memref<64xi32, #tpu.memory_space<vmem>>
    %dma_start3A_91 = arith.constant 0 : i32
    %dma_start3A_92 = arith.constant 0 : i32
    %dma_start3A_93 = tpu.memref_slice %arg7[%dma_start3A_91, %dma_start3A_92] : memref<2048x128xf32, #tpu.memory_space<vmem_shared>> -> memref<2048x128xf32, #tpu.memory_space<vmem_shared>>
    %dma_start3A_94 = tpu.memref_slice %arg8[%dma_start3A_83] : memref<10x!tpu.dma_semaphore, #tpu.memory_space<semaphore_mem>> -> memref<1x!tpu.dma_semaphore, #tpu.memory_space<semaphore_mem>>
    %dma_start3A_95 = tpu.memref_squeeze %dma_start3A_94 : memref<1x!tpu.dma_semaphore, #tpu.memory_space<semaphore_mem>> -> memref<!tpu.dma_semaphore, #tpu.memory_space<semaphore_mem>>
    tpu.enqueue_indirect_dma source(%dma_start3A_93 : memref<2048x128xf32, #tpu.memory_space<vmem_shared>>) target(%dma_start3A_87 : memref<64x128xf32, #tpu.memory_space<vmem>>) offsets(%dma_start3A_90 : memref<64xi32, #tpu.memory_space<vmem>>) semaphore(%dma_start3A_95 : memref<!tpu.dma_semaphore, #tpu.memory_space<semaphore_mem>>)
    %dma_start3A_96 = arith.constant 6 : i32
    %dma_start3A_97 = arith.constant 6 : i32
    %dma_start3A_98 = arith.constant 6 : i32
    %dma_start3A_99 = arith.constant 0 : i32
    %dma_start3A_100 = arith.constant 0 : i32
    %dma_start3A_101 = tpu.memref_slice %arg6[%dma_start3A_97, %dma_start3A_99, %dma_start3A_100] : memref<10x64x128xf32, #tpu.memory_space<vmem>> -> memref<1x64x128xf32, #tpu.memory_space<vmem>>
    %dma_start3A_102 = tpu.memref_squeeze %dma_start3A_101 : memref<1x64x128xf32, #tpu.memory_space<vmem>> -> memref<64x128xf32, #tpu.memory_space<vmem>>
    %dma_start3A_103 = arith.constant 0 : i32
    %dma_start3A_104 = tpu.memref_slice %arg5[%dma_start3A_96, %dma_start3A_103] : memref<100x64xi32, #tpu.memory_space<vmem>> -> memref<1x64xi32, #tpu.memory_space<vmem>>
    %dma_start3A_105 = tpu.memref_squeeze %dma_start3A_104 : memref<1x64xi32, #tpu.memory_space<vmem>> -> memref<64xi32, #tpu.memory_space<vmem>>
    %dma_start3A_106 = arith.constant 0 : i32
    %dma_start3A_107 = arith.constant 0 : i32
    %dma_start3A_108 = tpu.memref_slice %arg7[%dma_start3A_106, %dma_start3A_107] : memref<2048x128xf32, #tpu.memory_space<vmem_shared>> -> memref<2048x128xf32, #tpu.memory_space<vmem_shared>>
    %dma_start3A_109 = tpu.memref_slice %arg8[%dma_start3A_98] : memref<10x!tpu.dma_semaphore, #tpu.memory_space<semaphore_mem>> -> memref<1x!tpu.dma_semaphore, #tpu.memory_space<semaphore_mem>>
    %dma_start3A_110 = tpu.memref_squeeze %dma_start3A_109 : memref<1x!tpu.dma_semaphore, #tpu.memory_space<semaphore_mem>> -> memref<!tpu.dma_semaphore, #tpu.memory_space<semaphore_mem>>
    tpu.enqueue_indirect_dma source(%dma_start3A_108 : memref<2048x128xf32, #tpu.memory_space<vmem_shared>>) target(%dma_start3A_102 : memref<64x128xf32, #tpu.memory_space<vmem>>) offsets(%dma_start3A_105 : memref<64xi32, #tpu.memory_space<vmem>>) semaphore(%dma_start3A_110 : memref<!tpu.dma_semaphore, #tpu.memory_space<semaphore_mem>>)
    %dma_start3A_111 = arith.constant 7 : i32
    %dma_start3A_112 = arith.constant 7 : i32
    %dma_start3A_113 = arith.constant 7 : i32
    %dma_start3A_114 = arith.constant 0 : i32
    %dma_start3A_115 = arith.constant 0 : i32
    %dma_start3A_116 = tpu.memref_slice %arg6[%dma_start3A_112, %dma_start3A_114, %dma_start3A_115] : memref<10x64x128xf32, #tpu.memory_space<vmem>> -> memref<1x64x128xf32, #tpu.memory_space<vmem>>
    %dma_start3A_117 = tpu.memref_squeeze %dma_start3A_116 : memref<1x64x128xf32, #tpu.memory_space<vmem>> -> memref<64x128xf32, #tpu.memory_space<vmem>>
    %dma_start3A_118 = arith.constant 0 : i32
    %dma_start3A_119 = tpu.memref_slice %arg5[%dma_start3A_111, %dma_start3A_118] : memref<100x64xi32, #tpu.memory_space<vmem>> -> memref<1x64xi32, #tpu.memory_space<vmem>>
    %dma_start3A_120 = tpu.memref_squeeze %dma_start3A_119 : memref<1x64xi32, #tpu.memory_space<vmem>> -> memref<64xi32, #tpu.memory_space<vmem>>
    %dma_start3A_121 = arith.constant 0 : i32
    %dma_start3A_122 = arith.constant 0 : i32
    %dma_start3A_123 = tpu.memref_slice %arg7[%dma_start3A_121, %dma_start3A_122] : memref<2048x128xf32, #tpu.memory_space<vmem_shared>> -> memref<2048x128xf32, #tpu.memory_space<vmem_shared>>
    %dma_start3A_124 = tpu.memref_slice %arg8[%dma_start3A_113] : memref<10x!tpu.dma_semaphore, #tpu.memory_space<semaphore_mem>> -> memref<1x!tpu.dma_semaphore, #tpu.memory_space<semaphore_mem>>
    %dma_start3A_125 = tpu.memref_squeeze %dma_start3A_124 : memref<1x!tpu.dma_semaphore, #tpu.memory_space<semaphore_mem>> -> memref<!tpu.dma_semaphore, #tpu.memory_space<semaphore_mem>>
    tpu.enqueue_indirect_dma source(%dma_start3A_123 : memref<2048x128xf32, #tpu.memory_space<vmem_shared>>) target(%dma_start3A_117 : memref<64x128xf32, #tpu.memory_space<vmem>>) offsets(%dma_start3A_120 : memref<64xi32, #tpu.memory_space<vmem>>) semaphore(%dma_start3A_125 : memref<!tpu.dma_semaphore, #tpu.memory_space<semaphore_mem>>)
    %dma_start3A_126 = arith.constant 8 : i32
    %dma_start3A_127 = arith.constant 8 : i32
    %dma_start3A_128 = arith.constant 8 : i32
    %dma_start3A_129 = arith.constant 0 : i32
    %dma_start3A_130 = arith.constant 0 : i32
    %dma_start3A_131 = tpu.memref_slice %arg6[%dma_start3A_127, %dma_start3A_129, %dma_start3A_130] : memref<10x64x128xf32, #tpu.memory_space<vmem>> -> memref<1x64x128xf32, #tpu.memory_space<vmem>>
    %dma_start3A_132 = tpu.memref_squeeze %dma_start3A_131 : memref<1x64x128xf32, #tpu.memory_space<vmem>> -> memref<64x128xf32, #tpu.memory_space<vmem>>
    %dma_start3A_133 = arith.constant 0 : i32
    %dma_start3A_134 = tpu.memref_slice %arg5[%dma_start3A_126, %dma_start3A_133] : memref<100x64xi32, #tpu.memory_space<vmem>> -> memref<1x64xi32, #tpu.memory_space<vmem>>
    %dma_start3A_135 = tpu.memref_squeeze %dma_start3A_134 : memref<1x64xi32, #tpu.memory_space<vmem>> -> memref<64xi32, #tpu.memory_space<vmem>>
    %dma_start3A_136 = arith.constant 0 : i32
    %dma_start3A_137 = arith.constant 0 : i32
    %dma_start3A_138 = tpu.memref_slice %arg7[%dma_start3A_136, %dma_start3A_137] : memref<2048x128xf32, #tpu.memory_space<vmem_shared>> -> memref<2048x128xf32, #tpu.memory_space<vmem_shared>>
    %dma_start3A_139 = tpu.memref_slice %arg8[%dma_start3A_128] : memref<10x!tpu.dma_semaphore, #tpu.memory_space<semaphore_mem>> -> memref<1x!tpu.dma_semaphore, #tpu.memory_space<semaphore_mem>>
    %dma_start3A_140 = tpu.memref_squeeze %dma_start3A_139 : memref<1x!tpu.dma_semaphore, #tpu.memory_space<semaphore_mem>> -> memref<!tpu.dma_semaphore, #tpu.memory_space<semaphore_mem>>
    tpu.enqueue_indirect_dma source(%dma_start3A_138 : memref<2048x128xf32, #tpu.memory_space<vmem_shared>>) target(%dma_start3A_132 : memref<64x128xf32, #tpu.memory_space<vmem>>) offsets(%dma_start3A_135 : memref<64xi32, #tpu.memory_space<vmem>>) semaphore(%dma_start3A_140 : memref<!tpu.dma_semaphore, #tpu.memory_space<semaphore_mem>>)
    %scan3A = arith.constant 0 : i32
    %scan3A_141 = arith.constant 0 : i32
    %scan3A_142 = arith.constant 10 : i32
    %scan3A_143 = arith.addi %scan3A_141, %scan3A_142 : i32
    %scan3A_144 = arith.constant 1 : i32
    scf.for %scan3A_163 = %scan3A_141 to %scan3A_143 step %scan3A_144  : i32 {
      %mul3A_164 = arith.constant 10 : i32
      %mul3A_165 = arith.muli %scan3A_163, %mul3A_164 : i32
      %add3A_166 = arith.constant 0 : i32
      %add3A_167 = arith.addi %mul3A_165, %add3A_166 : i32
      %dma_wait3A_168 = arith.constant 0 : i32
      %dma_wait3A_169 = arith.constant 0 : i32
      %dma_wait3A_170 = arith.constant 0 : i32
      %dma_wait3A_171 = arith.constant 0 : i32
      %dma_wait3A_172 = tpu.memref_slice %arg6[%dma_wait3A_168, %dma_wait3A_170, %dma_wait3A_171] : memref<10x64x128xf32, #tpu.memory_space<vmem>> -> memref<1x64x128xf32, #tpu.memory_space<vmem>>
      %dma_wait3A_173 = tpu.memref_squeeze %dma_wait3A_172 : memref<1x64x128xf32, #tpu.memory_space<vmem>> -> memref<64x128xf32, #tpu.memory_space<vmem>>
      %dma_wait3A_174 = arith.constant 0 : i32
      %dma_wait3A_175 = tpu.memref_slice %arg5[%add3A_167, %dma_wait3A_174] : memref<100x64xi32, #tpu.memory_space<vmem>> -> memref<1x64xi32, #tpu.memory_space<vmem>>
      %dma_wait3A_176 = tpu.memref_squeeze %dma_wait3A_175 : memref<1x64xi32, #tpu.memory_space<vmem>> -> memref<64xi32, #tpu.memory_space<vmem>>
      %dma_wait3A_177 = arith.constant 0 : i32
      %dma_wait3A_178 = arith.constant 0 : i32
      %dma_wait3A_179 = tpu.memref_slice %arg7[%dma_wait3A_177, %dma_wait3A_178] : memref<2048x128xf32, #tpu.memory_space<vmem_shared>> -> memref<2048x128xf32, #tpu.memory_space<vmem_shared>>
      %dma_wait3A_180 = tpu.memref_slice %arg8[%dma_wait3A_169] : memref<10x!tpu.dma_semaphore, #tpu.memory_space<semaphore_mem>> -> memref<1x!tpu.dma_semaphore, #tpu.memory_space<semaphore_mem>>
      %dma_wait3A_181 = tpu.memref_squeeze %dma_wait3A_180 : memref<1x!tpu.dma_semaphore, #tpu.memory_space<semaphore_mem>> -> memref<!tpu.dma_semaphore, #tpu.memory_space<semaphore_mem>>
      tpu.wait_indirect_dma semaphore(%dma_wait3A_181 : memref<!tpu.dma_semaphore, #tpu.memory_space<semaphore_mem>>) src(%dma_wait3A_179 : memref<2048x128xf32, #tpu.memory_space<vmem_shared>>) dst(%dma_wait3A_173 : memref<64x128xf32, #tpu.memory_space<vmem>>)
      %mul3A_182 = arith.constant 64 : i32
      %mul3A_183 = arith.muli %add3A_167, %mul3A_182 : i32
      %add3A_184 = arith.addi %mul3A_2, %mul3A_183 : i32
      %dma_start3A_185 = arith.constant 0 : i32
      %dma_start3A_186 = arith.constant 0 : i32
      %dma_start3A_187 = arith.constant 0 : i32
      %dma_start3A_188 = arith.constant 0 : i32
      %dma_start3A_189 = tpu.memref_slice %arg6[%dma_start3A_185, %dma_start3A_187, %dma_start3A_188] : memref<10x64x128xf32, #tpu.memory_space<vmem>> -> memref<1x64x128xf32, #tpu.memory_space<vmem>>
      %dma_start3A_190 = tpu.memref_squeeze %dma_start3A_189 : memref<1x64x128xf32, #tpu.memory_space<vmem>> -> memref<64x128xf32, #tpu.memory_space<vmem>>
      %dma_start3A_191 = arith.constant 0 : i32
      %dma_start3A_192 = tpu.memref_slice %arg4[%add3A_184, %dma_start3A_191] : memref<204800x128xf32, #tpu.memory_space<hbm>> -> memref<64x128xf32, #tpu.memory_space<hbm>>
      %dma_start3A_193 = tpu.memref_slice %arg9[%dma_start3A_186] : memref<10x!tpu.dma_semaphore, #tpu.memory_space<semaphore_mem>> -> memref<1x!tpu.dma_semaphore, #tpu.memory_space<semaphore_mem>>
      %dma_start3A_194 = tpu.memref_squeeze %dma_start3A_193 : memref<1x!tpu.dma_semaphore, #tpu.memory_space<semaphore_mem>> -> memref<!tpu.dma_semaphore, #tpu.memory_space<semaphore_mem>>
      %dma_start3A_195 = arith.constant 0 : i32
      %dma_start3A_196 = tpu.memref_slice %arg4[%add3A_184, %dma_start3A_195] : memref<204800x128xf32, #tpu.memory_space<hbm>> -> memref<64x128xf32, #tpu.memory_space<hbm>>
      %dma_start3A_197 = arith.constant 0 : i32
      %dma_start3A_198 = arith.constant 0 : i32
      %dma_start3A_199 = tpu.memref_slice %arg6[%dma_start3A_185, %dma_start3A_197, %dma_start3A_198] : memref<10x64x128xf32, #tpu.memory_space<vmem>> -> memref<1x64x128xf32, #tpu.memory_space<vmem>>
      %dma_start3A_200 = tpu.memref_squeeze %dma_start3A_199 : memref<1x64x128xf32, #tpu.memory_space<vmem>> -> memref<64x128xf32, #tpu.memory_space<vmem>>
      tpu.enqueue_dma source(%dma_start3A_200 : memref<64x128xf32, #tpu.memory_space<vmem>>) target(%dma_start3A_196 : memref<64x128xf32, #tpu.memory_space<hbm>>) target_semaphore(%dma_start3A_194 : memref<!tpu.dma_semaphore, #tpu.memory_space<semaphore_mem>>)
      %add3A_201 = arith.constant 10 : i32
      %add3A_202 = arith.addi %add3A_167, %add3A_201 : i32
      %sub3A = arith.constant 1 : i32
      %sub3A_203 = arith.subi %add3A_202, %sub3A : i32
      %gt3A = arith.constant 0 : i32
      %gt3A_204 = arith.cmpi sgt, %scan3A_163, %gt3A : i32
      %convert_element_type3A = arith.extui %gt3A_204 : i1 to i32
      %cond3A = arith.constant 0 : i32
      %cond3A_205 = arith.cmpi ne, %convert_element_type3A, %cond3A : i32
      scf.if %cond3A_205 {
        %sub3A_795 = arith.constant 1 : i32
        %sub3A_796 = arith.subi %add3A_167, %sub3A_795 : i32
        %mul3A_797 = arith.constant 64 : i32
        %mul3A_798 = arith.muli %sub3A_796, %mul3A_797 : i32
        %add3A_799 = arith.addi %mul3A_2, %mul3A_798 : i32
        %dma_wait3A_800 = arith.constant 9 : i32
        %dma_wait3A_801 = arith.constant 9 : i32
        %dma_wait3A_802 = arith.constant 0 : i32
        %dma_wait3A_803 = arith.constant 0 : i32
        %dma_wait3A_804 = tpu.memref_slice %arg6[%dma_wait3A_800, %dma_wait3A_802, %dma_wait3A_803] : memref<10x64x128xf32, #tpu.memory_space<vmem>> -> memref<1x64x128xf32, #tpu.memory_space<vmem>>
        %dma_wait3A_805 = tpu.memref_squeeze %dma_wait3A_804 : memref<1x64x128xf32, #tpu.memory_space<vmem>> -> memref<64x128xf32, #tpu.memory_space<vmem>>
        %dma_wait3A_806 = arith.constant 0 : i32
        %dma_wait3A_807 = tpu.memref_slice %arg4[%add3A_799, %dma_wait3A_806] : memref<204800x128xf32, #tpu.memory_space<hbm>> -> memref<64x128xf32, #tpu.memory_space<hbm>>
        %dma_wait3A_808 = tpu.memref_slice %arg9[%dma_wait3A_801] : memref<10x!tpu.dma_semaphore, #tpu.memory_space<semaphore_mem>> -> memref<1x!tpu.dma_semaphore, #tpu.memory_space<semaphore_mem>>
        %dma_wait3A_809 = tpu.memref_squeeze %dma_wait3A_808 : memref<1x!tpu.dma_semaphore, #tpu.memory_space<semaphore_mem>> -> memref<!tpu.dma_semaphore, #tpu.memory_space<semaphore_mem>>
        %dma_wait3A_810 = arith.constant 0 : i32
        %dma_wait3A_811 = tpu.memref_slice %arg4[%add3A_799, %dma_wait3A_810] : memref<204800x128xf32, #tpu.memory_space<hbm>> -> memref<64x128xf32, #tpu.memory_space<hbm>>
        %dma_wait3A_812 = arith.constant 0 : i32
        %dma_wait3A_813 = arith.constant 0 : i32
        %dma_wait3A_814 = tpu.memref_slice %arg6[%dma_wait3A_800, %dma_wait3A_812, %dma_wait3A_813] : memref<10x64x128xf32, #tpu.memory_space<vmem>> -> memref<1x64x128xf32, #tpu.memory_space<vmem>>
        %dma_wait3A_815 = tpu.memref_squeeze %dma_wait3A_814 : memref<1x64x128xf32, #tpu.memory_space<vmem>> -> memref<64x128xf32, #tpu.memory_space<vmem>>
        tpu.wait_dma2 semaphore(%dma_wait3A_809 : memref<!tpu.dma_semaphore, #tpu.memory_space<semaphore_mem>>) src(%dma_wait3A_815 : memref<64x128xf32, #tpu.memory_space<vmem>>) dst(%dma_wait3A_811 : memref<64x128xf32, #tpu.memory_space<hbm>>)
      } else {
      }
      %lt3A = arith.constant 100 : i32
      %lt3A_206 = arith.cmpi slt, %sub3A_203, %lt3A : i32
      %convert_element_type3A_207 = arith.extui %lt3A_206 : i1 to i32
      %cond3A_208 = arith.constant 0 : i32
      %cond3A_209 = arith.cmpi ne, %convert_element_type3A_207, %cond3A_208 : i32
      scf.if %cond3A_209 {
        %dma_start3A_795 = arith.constant 9 : i32
        %dma_start3A_796 = arith.constant 9 : i32
        %dma_start3A_797 = arith.constant 0 : i32
        %dma_start3A_798 = arith.constant 0 : i32
        %dma_start3A_799 = tpu.memref_slice %arg6[%dma_start3A_795, %dma_start3A_797, %dma_start3A_798] : memref<10x64x128xf32, #tpu.memory_space<vmem>> -> memref<1x64x128xf32, #tpu.memory_space<vmem>>
        %dma_start3A_800 = tpu.memref_squeeze %dma_start3A_799 : memref<1x64x128xf32, #tpu.memory_space<vmem>> -> memref<64x128xf32, #tpu.memory_space<vmem>>
        %dma_start3A_801 = arith.constant 0 : i32
        %dma_start3A_802 = tpu.memref_slice %arg5[%sub3A_203, %dma_start3A_801] : memref<100x64xi32, #tpu.memory_space<vmem>> -> memref<1x64xi32, #tpu.memory_space<vmem>>
        %dma_start3A_803 = tpu.memref_squeeze %dma_start3A_802 : memref<1x64xi32, #tpu.memory_space<vmem>> -> memref<64xi32, #tpu.memory_space<vmem>>
        %dma_start3A_804 = arith.constant 0 : i32
        %dma_start3A_805 = arith.constant 0 : i32
        %dma_start3A_806 = tpu.memref_slice %arg7[%dma_start3A_804, %dma_start3A_805] : memref<2048x128xf32, #tpu.memory_space<vmem_shared>> -> memref<2048x128xf32, #tpu.memory_space<vmem_shared>>
        %dma_start3A_807 = tpu.memref_slice %arg8[%dma_start3A_796] : memref<10x!tpu.dma_semaphore, #tpu.memory_space<semaphore_mem>> -> memref<1x!tpu.dma_semaphore, #tpu.memory_space<semaphore_mem>>
        %dma_start3A_808 = tpu.memref_squeeze %dma_start3A_807 : memref<1x!tpu.dma_semaphore, #tpu.memory_space<semaphore_mem>> -> memref<!tpu.dma_semaphore, #tpu.memory_space<semaphore_mem>>
        tpu.enqueue_indirect_dma source(%dma_start3A_806 : memref<2048x128xf32, #tpu.memory_space<vmem_shared>>) target(%dma_start3A_800 : memref<64x128xf32, #tpu.memory_space<vmem>>) offsets(%dma_start3A_803 : memref<64xi32, #tpu.memory_space<vmem>>) semaphore(%dma_start3A_808 : memref<!tpu.dma_semaphore, #tpu.memory_space<semaphore_mem>>)
      } else {
      }
      %add3A_210 = arith.constant 1 : i32
      %add3A_211 = arith.addi %mul3A_165, %add3A_210 : i32
      %dma_wait3A_212 = arith.constant 1 : i32
      %dma_wait3A_213 = arith.constant 1 : i32
      %dma_wait3A_214 = arith.constant 0 : i32
      %dma_wait3A_215 = arith.constant 0 : i32
      %dma_wait3A_216 = tpu.memref_slice %arg6[%dma_wait3A_212, %dma_wait3A_214, %dma_wait3A_215] : memref<10x64x128xf32, #tpu.memory_space<vmem>> -> memref<1x64x128xf32, #tpu.memory_space<vmem>>
      %dma_wait3A_217 = tpu.memref_squeeze %dma_wait3A_216 : memref<1x64x128xf32, #tpu.memory_space<vmem>> -> memref<64x128xf32, #tpu.memory_space<vmem>>
      %dma_wait3A_218 = arith.constant 0 : i32
      %dma_wait3A_219 = tpu.memref_slice %arg5[%add3A_211, %dma_wait3A_218] : memref<100x64xi32, #tpu.memory_space<vmem>> -> memref<1x64xi32, #tpu.memory_space<vmem>>
      %dma_wait3A_220 = tpu.memref_squeeze %dma_wait3A_219 : memref<1x64xi32, #tpu.memory_space<vmem>> -> memref<64xi32, #tpu.memory_space<vmem>>
      %dma_wait3A_221 = arith.constant 0 : i32
      %dma_wait3A_222 = arith.constant 0 : i32
      %dma_wait3A_223 = tpu.memref_slice %arg7[%dma_wait3A_221, %dma_wait3A_222] : memref<2048x128xf32, #tpu.memory_space<vmem_shared>> -> memref<2048x128xf32, #tpu.memory_space<vmem_shared>>
      %dma_wait3A_224 = tpu.memref_slice %arg8[%dma_wait3A_213] : memref<10x!tpu.dma_semaphore, #tpu.memory_space<semaphore_mem>> -> memref<1x!tpu.dma_semaphore, #tpu.memory_space<semaphore_mem>>
      %dma_wait3A_225 = tpu.memref_squeeze %dma_wait3A_224 : memref<1x!tpu.dma_semaphore, #tpu.memory_space<semaphore_mem>> -> memref<!tpu.dma_semaphore, #tpu.memory_space<semaphore_mem>>
      tpu.wait_indirect_dma semaphore(%dma_wait3A_225 : memref<!tpu.dma_semaphore, #tpu.memory_space<semaphore_mem>>) src(%dma_wait3A_223 : memref<2048x128xf32, #tpu.memory_space<vmem_shared>>) dst(%dma_wait3A_217 : memref<64x128xf32, #tpu.memory_space<vmem>>)
      %mul3A_226 = arith.constant 64 : i32
      %mul3A_227 = arith.muli %add3A_211, %mul3A_226 : i32
      %add3A_228 = arith.addi %mul3A_2, %mul3A_227 : i32
      %dma_start3A_229 = arith.constant 1 : i32
      %dma_start3A_230 = arith.constant 1 : i32
      %dma_start3A_231 = arith.constant 0 : i32
      %dma_start3A_232 = arith.constant 0 : i32
      %dma_start3A_233 = tpu.memref_slice %arg6[%dma_start3A_229, %dma_start3A_231, %dma_start3A_232] : memref<10x64x128xf32, #tpu.memory_space<vmem>> -> memref<1x64x128xf32, #tpu.memory_space<vmem>>
      %dma_start3A_234 = tpu.memref_squeeze %dma_start3A_233 : memref<1x64x128xf32, #tpu.memory_space<vmem>> -> memref<64x128xf32, #tpu.memory_space<vmem>>
      %dma_start3A_235 = arith.constant 0 : i32
      %dma_start3A_236 = tpu.memref_slice %arg4[%add3A_228, %dma_start3A_235] : memref<204800x128xf32, #tpu.memory_space<hbm>> -> memref<64x128xf32, #tpu.memory_space<hbm>>
      %dma_start3A_237 = tpu.memref_slice %arg9[%dma_start3A_230] : memref<10x!tpu.dma_semaphore, #tpu.memory_space<semaphore_mem>> -> memref<1x!tpu.dma_semaphore, #tpu.memory_space<semaphore_mem>>
      %dma_start3A_238 = tpu.memref_squeeze %dma_start3A_237 : memref<1x!tpu.dma_semaphore, #tpu.memory_space<semaphore_mem>> -> memref<!tpu.dma_semaphore, #tpu.memory_space<semaphore_mem>>
      %dma_start3A_239 = arith.constant 0 : i32
      %dma_start3A_240 = tpu.memref_slice %arg4[%add3A_228, %dma_start3A_239] : memref<204800x128xf32, #tpu.memory_space<hbm>> -> memref<64x128xf32, #tpu.memory_space<hbm>>
      %dma_start3A_241 = arith.constant 0 : i32
      %dma_start3A_242 = arith.constant 0 : i32
      %dma_start3A_243 = tpu.memref_slice %arg6[%dma_start3A_229, %dma_start3A_241, %dma_start3A_242] : memref<10x64x128xf32, #tpu.memory_space<vmem>> -> memref<1x64x128xf32, #tpu.memory_space<vmem>>
      %dma_start3A_244 = tpu.memref_squeeze %dma_start3A_243 : memref<1x64x128xf32, #tpu.memory_space<vmem>> -> memref<64x128xf32, #tpu.memory_space<vmem>>
      tpu.enqueue_dma source(%dma_start3A_244 : memref<64x128xf32, #tpu.memory_space<vmem>>) target(%dma_start3A_240 : memref<64x128xf32, #tpu.memory_space<hbm>>) target_semaphore(%dma_start3A_238 : memref<!tpu.dma_semaphore, #tpu.memory_space<semaphore_mem>>)
      %add3A_245 = arith.constant 10 : i32
      %add3A_246 = arith.addi %add3A_211, %add3A_245 : i32
      %sub3A_247 = arith.constant 1 : i32
      %sub3A_248 = arith.subi %add3A_246, %sub3A_247 : i32
      %sub3A_249 = arith.constant 1 : i32
      %sub3A_250 = arith.subi %add3A_211, %sub3A_249 : i32
      %mul3A_251 = arith.constant 64 : i32
      %mul3A_252 = arith.muli %sub3A_250, %mul3A_251 : i32
      %add3A_253 = arith.addi %mul3A_2, %mul3A_252 : i32
      %dma_wait3A_254 = arith.constant 0 : i32
      %dma_wait3A_255 = arith.constant 0 : i32
      %dma_wait3A_256 = arith.constant 0 : i32
      %dma_wait3A_257 = arith.constant 0 : i32
      %dma_wait3A_258 = tpu.memref_slice %arg6[%dma_wait3A_254, %dma_wait3A_256, %dma_wait3A_257] : memref<10x64x128xf32, #tpu.memory_space<vmem>> -> memref<1x64x128xf32, #tpu.memory_space<vmem>>
      %dma_wait3A_259 = tpu.memref_squeeze %dma_wait3A_258 : memref<1x64x128xf32, #tpu.memory_space<vmem>> -> memref<64x128xf32, #tpu.memory_space<vmem>>
      %dma_wait3A_260 = arith.constant 0 : i32
      %dma_wait3A_261 = tpu.memref_slice %arg4[%add3A_253, %dma_wait3A_260] : memref<204800x128xf32, #tpu.memory_space<hbm>> -> memref<64x128xf32, #tpu.memory_space<hbm>>
      %dma_wait3A_262 = tpu.memref_slice %arg9[%dma_wait3A_255] : memref<10x!tpu.dma_semaphore, #tpu.memory_space<semaphore_mem>> -> memref<1x!tpu.dma_semaphore, #tpu.memory_space<semaphore_mem>>
      %dma_wait3A_263 = tpu.memref_squeeze %dma_wait3A_262 : memref<1x!tpu.dma_semaphore, #tpu.memory_space<semaphore_mem>> -> memref<!tpu.dma_semaphore, #tpu.memory_space<semaphore_mem>>
      %dma_wait3A_264 = arith.constant 0 : i32
      %dma_wait3A_265 = tpu.memref_slice %arg4[%add3A_253, %dma_wait3A_264] : memref<204800x128xf32, #tpu.memory_space<hbm>> -> memref<64x128xf32, #tpu.memory_space<hbm>>
      %dma_wait3A_266 = arith.constant 0 : i32
      %dma_wait3A_267 = arith.constant 0 : i32
      %dma_wait3A_268 = tpu.memref_slice %arg6[%dma_wait3A_254, %dma_wait3A_266, %dma_wait3A_267] : memref<10x64x128xf32, #tpu.memory_space<vmem>> -> memref<1x64x128xf32, #tpu.memory_space<vmem>>
      %dma_wait3A_269 = tpu.memref_squeeze %dma_wait3A_268 : memref<1x64x128xf32, #tpu.memory_space<vmem>> -> memref<64x128xf32, #tpu.memory_space<vmem>>
      tpu.wait_dma2 semaphore(%dma_wait3A_263 : memref<!tpu.dma_semaphore, #tpu.memory_space<semaphore_mem>>) src(%dma_wait3A_269 : memref<64x128xf32, #tpu.memory_space<vmem>>) dst(%dma_wait3A_265 : memref<64x128xf32, #tpu.memory_space<hbm>>)
      %lt3A_270 = arith.constant 100 : i32
      %lt3A_271 = arith.cmpi slt, %sub3A_248, %lt3A_270 : i32
      %convert_element_type3A_272 = arith.extui %lt3A_271 : i1 to i32
      %cond3A_273 = arith.constant 0 : i32
      %cond3A_274 = arith.cmpi ne, %convert_element_type3A_272, %cond3A_273 : i32
      scf.if %cond3A_274 {
        %dma_start3A_795 = arith.constant 0 : i32
        %dma_start3A_796 = arith.constant 0 : i32
        %dma_start3A_797 = arith.constant 0 : i32
        %dma_start3A_798 = arith.constant 0 : i32
        %dma_start3A_799 = tpu.memref_slice %arg6[%dma_start3A_795, %dma_start3A_797, %dma_start3A_798] : memref<10x64x128xf32, #tpu.memory_space<vmem>> -> memref<1x64x128xf32, #tpu.memory_space<vmem>>
        %dma_start3A_800 = tpu.memref_squeeze %dma_start3A_799 : memref<1x64x128xf32, #tpu.memory_space<vmem>> -> memref<64x128xf32, #tpu.memory_space<vmem>>
        %dma_start3A_801 = arith.constant 0 : i32
        %dma_start3A_802 = tpu.memref_slice %arg5[%sub3A_248, %dma_start3A_801] : memref<100x64xi32, #tpu.memory_space<vmem>> -> memref<1x64xi32, #tpu.memory_space<vmem>>
        %dma_start3A_803 = tpu.memref_squeeze %dma_start3A_802 : memref<1x64xi32, #tpu.memory_space<vmem>> -> memref<64xi32, #tpu.memory_space<vmem>>
        %dma_start3A_804 = arith.constant 0 : i32
        %dma_start3A_805 = arith.constant 0 : i32
        %dma_start3A_806 = tpu.memref_slice %arg7[%dma_start3A_804, %dma_start3A_805] : memref<2048x128xf32, #tpu.memory_space<vmem_shared>> -> memref<2048x128xf32, #tpu.memory_space<vmem_shared>>
        %dma_start3A_807 = tpu.memref_slice %arg8[%dma_start3A_796] : memref<10x!tpu.dma_semaphore, #tpu.memory_space<semaphore_mem>> -> memref<1x!tpu.dma_semaphore, #tpu.memory_space<semaphore_mem>>
        %dma_start3A_808 = tpu.memref_squeeze %dma_start3A_807 : memref<1x!tpu.dma_semaphore, #tpu.memory_space<semaphore_mem>> -> memref<!tpu.dma_semaphore, #tpu.memory_space<semaphore_mem>>
        tpu.enqueue_indirect_dma source(%dma_start3A_806 : memref<2048x128xf32, #tpu.memory_space<vmem_shared>>) target(%dma_start3A_800 : memref<64x128xf32, #tpu.memory_space<vmem>>) offsets(%dma_start3A_803 : memref<64xi32, #tpu.memory_space<vmem>>) semaphore(%dma_start3A_808 : memref<!tpu.dma_semaphore, #tpu.memory_space<semaphore_mem>>)
      } else {
      }
      %add3A_275 = arith.constant 2 : i32
      %add3A_276 = arith.addi %mul3A_165, %add3A_275 : i32
      %dma_wait3A_277 = arith.constant 2 : i32
      %dma_wait3A_278 = arith.constant 2 : i32
      %dma_wait3A_279 = arith.constant 0 : i32
      %dma_wait3A_280 = arith.constant 0 : i32
      %dma_wait3A_281 = tpu.memref_slice %arg6[%dma_wait3A_277, %dma_wait3A_279, %dma_wait3A_280] : memref<10x64x128xf32, #tpu.memory_space<vmem>> -> memref<1x64x128xf32, #tpu.memory_space<vmem>>
      %dma_wait3A_282 = tpu.memref_squeeze %dma_wait3A_281 : memref<1x64x128xf32, #tpu.memory_space<vmem>> -> memref<64x128xf32, #tpu.memory_space<vmem>>
      %dma_wait3A_283 = arith.constant 0 : i32
      %dma_wait3A_284 = tpu.memref_slice %arg5[%add3A_276, %dma_wait3A_283] : memref<100x64xi32, #tpu.memory_space<vmem>> -> memref<1x64xi32, #tpu.memory_space<vmem>>
      %dma_wait3A_285 = tpu.memref_squeeze %dma_wait3A_284 : memref<1x64xi32, #tpu.memory_space<vmem>> -> memref<64xi32, #tpu.memory_space<vmem>>
      %dma_wait3A_286 = arith.constant 0 : i32
      %dma_wait3A_287 = arith.constant 0 : i32
      %dma_wait3A_288 = tpu.memref_slice %arg7[%dma_wait3A_286, %dma_wait3A_287] : memref<2048x128xf32, #tpu.memory_space<vmem_shared>> -> memref<2048x128xf32, #tpu.memory_space<vmem_shared>>
      %dma_wait3A_289 = tpu.memref_slice %arg8[%dma_wait3A_278] : memref<10x!tpu.dma_semaphore, #tpu.memory_space<semaphore_mem>> -> memref<1x!tpu.dma_semaphore, #tpu.memory_space<semaphore_mem>>
      %dma_wait3A_290 = tpu.memref_squeeze %dma_wait3A_289 : memref<1x!tpu.dma_semaphore, #tpu.memory_space<semaphore_mem>> -> memref<!tpu.dma_semaphore, #tpu.memory_space<semaphore_mem>>
      tpu.wait_indirect_dma semaphore(%dma_wait3A_290 : memref<!tpu.dma_semaphore, #tpu.memory_space<semaphore_mem>>) src(%dma_wait3A_288 : memref<2048x128xf32, #tpu.memory_space<vmem_shared>>) dst(%dma_wait3A_282 : memref<64x128xf32, #tpu.memory_space<vmem>>)
      %mul3A_291 = arith.constant 64 : i32
      %mul3A_292 = arith.muli %add3A_276, %mul3A_291 : i32
      %add3A_293 = arith.addi %mul3A_2, %mul3A_292 : i32
      %dma_start3A_294 = arith.constant 2 : i32
      %dma_start3A_295 = arith.constant 2 : i32
      %dma_start3A_296 = arith.constant 0 : i32
      %dma_start3A_297 = arith.constant 0 : i32
      %dma_start3A_298 = tpu.memref_slice %arg6[%dma_start3A_294, %dma_start3A_296, %dma_start3A_297] : memref<10x64x128xf32, #tpu.memory_space<vmem>> -> memref<1x64x128xf32, #tpu.memory_space<vmem>>
      %dma_start3A_299 = tpu.memref_squeeze %dma_start3A_298 : memref<1x64x128xf32, #tpu.memory_space<vmem>> -> memref<64x128xf32, #tpu.memory_space<vmem>>
      %dma_start3A_300 = arith.constant 0 : i32
      %dma_start3A_301 = tpu.memref_slice %arg4[%add3A_293, %dma_start3A_300] : memref<204800x128xf32, #tpu.memory_space<hbm>> -> memref<64x128xf32, #tpu.memory_space<hbm>>
      %dma_start3A_302 = tpu.memref_slice %arg9[%dma_start3A_295] : memref<10x!tpu.dma_semaphore, #tpu.memory_space<semaphore_mem>> -> memref<1x!tpu.dma_semaphore, #tpu.memory_space<semaphore_mem>>
      %dma_start3A_303 = tpu.memref_squeeze %dma_start3A_302 : memref<1x!tpu.dma_semaphore, #tpu.memory_space<semaphore_mem>> -> memref<!tpu.dma_semaphore, #tpu.memory_space<semaphore_mem>>
      %dma_start3A_304 = arith.constant 0 : i32
      %dma_start3A_305 = tpu.memref_slice %arg4[%add3A_293, %dma_start3A_304] : memref<204800x128xf32, #tpu.memory_space<hbm>> -> memref<64x128xf32, #tpu.memory_space<hbm>>
      %dma_start3A_306 = arith.constant 0 : i32
      %dma_start3A_307 = arith.constant 0 : i32
      %dma_start3A_308 = tpu.memref_slice %arg6[%dma_start3A_294, %dma_start3A_306, %dma_start3A_307] : memref<10x64x128xf32, #tpu.memory_space<vmem>> -> memref<1x64x128xf32, #tpu.memory_space<vmem>>
      %dma_start3A_309 = tpu.memref_squeeze %dma_start3A_308 : memref<1x64x128xf32, #tpu.memory_space<vmem>> -> memref<64x128xf32, #tpu.memory_space<vmem>>
      tpu.enqueue_dma source(%dma_start3A_309 : memref<64x128xf32, #tpu.memory_space<vmem>>) target(%dma_start3A_305 : memref<64x128xf32, #tpu.memory_space<hbm>>) target_semaphore(%dma_start3A_303 : memref<!tpu.dma_semaphore, #tpu.memory_space<semaphore_mem>>)
      %add3A_310 = arith.constant 10 : i32
      %add3A_311 = arith.addi %add3A_276, %add3A_310 : i32
      %sub3A_312 = arith.constant 1 : i32
      %sub3A_313 = arith.subi %add3A_311, %sub3A_312 : i32
      %sub3A_314 = arith.constant 1 : i32
      %sub3A_315 = arith.subi %add3A_276, %sub3A_314 : i32
      %mul3A_316 = arith.constant 64 : i32
      %mul3A_317 = arith.muli %sub3A_315, %mul3A_316 : i32
      %add3A_318 = arith.addi %mul3A_2, %mul3A_317 : i32
      %dma_wait3A_319 = arith.constant 1 : i32
      %dma_wait3A_320 = arith.constant 1 : i32
      %dma_wait3A_321 = arith.constant 0 : i32
      %dma_wait3A_322 = arith.constant 0 : i32
      %dma_wait3A_323 = tpu.memref_slice %arg6[%dma_wait3A_319, %dma_wait3A_321, %dma_wait3A_322] : memref<10x64x128xf32, #tpu.memory_space<vmem>> -> memref<1x64x128xf32, #tpu.memory_space<vmem>>
      %dma_wait3A_324 = tpu.memref_squeeze %dma_wait3A_323 : memref<1x64x128xf32, #tpu.memory_space<vmem>> -> memref<64x128xf32, #tpu.memory_space<vmem>>
      %dma_wait3A_325 = arith.constant 0 : i32
      %dma_wait3A_326 = tpu.memref_slice %arg4[%add3A_318, %dma_wait3A_325] : memref<204800x128xf32, #tpu.memory_space<hbm>> -> memref<64x128xf32, #tpu.memory_space<hbm>>
      %dma_wait3A_327 = tpu.memref_slice %arg9[%dma_wait3A_320] : memref<10x!tpu.dma_semaphore, #tpu.memory_space<semaphore_mem>> -> memref<1x!tpu.dma_semaphore, #tpu.memory_space<semaphore_mem>>
      %dma_wait3A_328 = tpu.memref_squeeze %dma_wait3A_327 : memref<1x!tpu.dma_semaphore, #tpu.memory_space<semaphore_mem>> -> memref<!tpu.dma_semaphore, #tpu.memory_space<semaphore_mem>>
      %dma_wait3A_329 = arith.constant 0 : i32
      %dma_wait3A_330 = tpu.memref_slice %arg4[%add3A_318, %dma_wait3A_329] : memref<204800x128xf32, #tpu.memory_space<hbm>> -> memref<64x128xf32, #tpu.memory_space<hbm>>
      %dma_wait3A_331 = arith.constant 0 : i32
      %dma_wait3A_332 = arith.constant 0 : i32
      %dma_wait3A_333 = tpu.memref_slice %arg6[%dma_wait3A_319, %dma_wait3A_331, %dma_wait3A_332] : memref<10x64x128xf32, #tpu.memory_space<vmem>> -> memref<1x64x128xf32, #tpu.memory_space<vmem>>
      %dma_wait3A_334 = tpu.memref_squeeze %dma_wait3A_333 : memref<1x64x128xf32, #tpu.memory_space<vmem>> -> memref<64x128xf32, #tpu.memory_space<vmem>>
      tpu.wait_dma2 semaphore(%dma_wait3A_328 : memref<!tpu.dma_semaphore, #tpu.memory_space<semaphore_mem>>) src(%dma_wait3A_334 : memref<64x128xf32, #tpu.memory_space<vmem>>) dst(%dma_wait3A_330 : memref<64x128xf32, #tpu.memory_space<hbm>>)
      %lt3A_335 = arith.constant 100 : i32
      %lt3A_336 = arith.cmpi slt, %sub3A_313, %lt3A_335 : i32
      %convert_element_type3A_337 = arith.extui %lt3A_336 : i1 to i32
      %cond3A_338 = arith.constant 0 : i32
      %cond3A_339 = arith.cmpi ne, %convert_element_type3A_337, %cond3A_338 : i32
      scf.if %cond3A_339 {
        %dma_start3A_795 = arith.constant 1 : i32
        %dma_start3A_796 = arith.constant 1 : i32
        %dma_start3A_797 = arith.constant 0 : i32
        %dma_start3A_798 = arith.constant 0 : i32
        %dma_start3A_799 = tpu.memref_slice %arg6[%dma_start3A_795, %dma_start3A_797, %dma_start3A_798] : memref<10x64x128xf32, #tpu.memory_space<vmem>> -> memref<1x64x128xf32, #tpu.memory_space<vmem>>
        %dma_start3A_800 = tpu.memref_squeeze %dma_start3A_799 : memref<1x64x128xf32, #tpu.memory_space<vmem>> -> memref<64x128xf32, #tpu.memory_space<vmem>>
        %dma_start3A_801 = arith.constant 0 : i32
        %dma_start3A_802 = tpu.memref_slice %arg5[%sub3A_313, %dma_start3A_801] : memref<100x64xi32, #tpu.memory_space<vmem>> -> memref<1x64xi32, #tpu.memory_space<vmem>>
        %dma_start3A_803 = tpu.memref_squeeze %dma_start3A_802 : memref<1x64xi32, #tpu.memory_space<vmem>> -> memref<64xi32, #tpu.memory_space<vmem>>
        %dma_start3A_804 = arith.constant 0 : i32
        %dma_start3A_805 = arith.constant 0 : i32
        %dma_start3A_806 = tpu.memref_slice %arg7[%dma_start3A_804, %dma_start3A_805] : memref<2048x128xf32, #tpu.memory_space<vmem_shared>> -> memref<2048x128xf32, #tpu.memory_space<vmem_shared>>
        %dma_start3A_807 = tpu.memref_slice %arg8[%dma_start3A_796] : memref<10x!tpu.dma_semaphore, #tpu.memory_space<semaphore_mem>> -> memref<1x!tpu.dma_semaphore, #tpu.memory_space<semaphore_mem>>
        %dma_start3A_808 = tpu.memref_squeeze %dma_start3A_807 : memref<1x!tpu.dma_semaphore, #tpu.memory_space<semaphore_mem>> -> memref<!tpu.dma_semaphore, #tpu.memory_space<semaphore_mem>>
        tpu.enqueue_indirect_dma source(%dma_start3A_806 : memref<2048x128xf32, #tpu.memory_space<vmem_shared>>) target(%dma_start3A_800 : memref<64x128xf32, #tpu.memory_space<vmem>>) offsets(%dma_start3A_803 : memref<64xi32, #tpu.memory_space<vmem>>) semaphore(%dma_start3A_808 : memref<!tpu.dma_semaphore, #tpu.memory_space<semaphore_mem>>)
      } else {
      }
      %add3A_340 = arith.constant 3 : i32
      %add3A_341 = arith.addi %mul3A_165, %add3A_340 : i32
      %dma_wait3A_342 = arith.constant 3 : i32
      %dma_wait3A_343 = arith.constant 3 : i32
      %dma_wait3A_344 = arith.constant 0 : i32
      %dma_wait3A_345 = arith.constant 0 : i32
      %dma_wait3A_346 = tpu.memref_slice %arg6[%dma_wait3A_342, %dma_wait3A_344, %dma_wait3A_345] : memref<10x64x128xf32, #tpu.memory_space<vmem>> -> memref<1x64x128xf32, #tpu.memory_space<vmem>>
      %dma_wait3A_347 = tpu.memref_squeeze %dma_wait3A_346 : memref<1x64x128xf32, #tpu.memory_space<vmem>> -> memref<64x128xf32, #tpu.memory_space<vmem>>
      %dma_wait3A_348 = arith.constant 0 : i32
      %dma_wait3A_349 = tpu.memref_slice %arg5[%add3A_341, %dma_wait3A_348] : memref<100x64xi32, #tpu.memory_space<vmem>> -> memref<1x64xi32, #tpu.memory_space<vmem>>
      %dma_wait3A_350 = tpu.memref_squeeze %dma_wait3A_349 : memref<1x64xi32, #tpu.memory_space<vmem>> -> memref<64xi32, #tpu.memory_space<vmem>>
      %dma_wait3A_351 = arith.constant 0 : i32
      %dma_wait3A_352 = arith.constant 0 : i32
      %dma_wait3A_353 = tpu.memref_slice %arg7[%dma_wait3A_351, %dma_wait3A_352] : memref<2048x128xf32, #tpu.memory_space<vmem_shared>> -> memref<2048x128xf32, #tpu.memory_space<vmem_shared>>
      %dma_wait3A_354 = tpu.memref_slice %arg8[%dma_wait3A_343] : memref<10x!tpu.dma_semaphore, #tpu.memory_space<semaphore_mem>> -> memref<1x!tpu.dma_semaphore, #tpu.memory_space<semaphore_mem>>
      %dma_wait3A_355 = tpu.memref_squeeze %dma_wait3A_354 : memref<1x!tpu.dma_semaphore, #tpu.memory_space<semaphore_mem>> -> memref<!tpu.dma_semaphore, #tpu.memory_space<semaphore_mem>>
      tpu.wait_indirect_dma semaphore(%dma_wait3A_355 : memref<!tpu.dma_semaphore, #tpu.memory_space<semaphore_mem>>) src(%dma_wait3A_353 : memref<2048x128xf32, #tpu.memory_space<vmem_shared>>) dst(%dma_wait3A_347 : memref<64x128xf32, #tpu.memory_space<vmem>>)
      %mul3A_356 = arith.constant 64 : i32
      %mul3A_357 = arith.muli %add3A_341, %mul3A_356 : i32
      %add3A_358 = arith.addi %mul3A_2, %mul3A_357 : i32
      %dma_start3A_359 = arith.constant 3 : i32
      %dma_start3A_360 = arith.constant 3 : i32
      %dma_start3A_361 = arith.constant 0 : i32
      %dma_start3A_362 = arith.constant 0 : i32
      %dma_start3A_363 = tpu.memref_slice %arg6[%dma_start3A_359, %dma_start3A_361, %dma_start3A_362] : memref<10x64x128xf32, #tpu.memory_space<vmem>> -> memref<1x64x128xf32, #tpu.memory_space<vmem>>
      %dma_start3A_364 = tpu.memref_squeeze %dma_start3A_363 : memref<1x64x128xf32, #tpu.memory_space<vmem>> -> memref<64x128xf32, #tpu.memory_space<vmem>>
      %dma_start3A_365 = arith.constant 0 : i32
      %dma_start3A_366 = tpu.memref_slice %arg4[%add3A_358, %dma_start3A_365] : memref<204800x128xf32, #tpu.memory_space<hbm>> -> memref<64x128xf32, #tpu.memory_space<hbm>>
      %dma_start3A_367 = tpu.memref_slice %arg9[%dma_start3A_360] : memref<10x!tpu.dma_semaphore, #tpu.memory_space<semaphore_mem>> -> memref<1x!tpu.dma_semaphore, #tpu.memory_space<semaphore_mem>>
      %dma_start3A_368 = tpu.memref_squeeze %dma_start3A_367 : memref<1x!tpu.dma_semaphore, #tpu.memory_space<semaphore_mem>> -> memref<!tpu.dma_semaphore, #tpu.memory_space<semaphore_mem>>
      %dma_start3A_369 = arith.constant 0 : i32
      %dma_start3A_370 = tpu.memref_slice %arg4[%add3A_358, %dma_start3A_369] : memref<204800x128xf32, #tpu.memory_space<hbm>> -> memref<64x128xf32, #tpu.memory_space<hbm>>
      %dma_start3A_371 = arith.constant 0 : i32
      %dma_start3A_372 = arith.constant 0 : i32
      %dma_start3A_373 = tpu.memref_slice %arg6[%dma_start3A_359, %dma_start3A_371, %dma_start3A_372] : memref<10x64x128xf32, #tpu.memory_space<vmem>> -> memref<1x64x128xf32, #tpu.memory_space<vmem>>
      %dma_start3A_374 = tpu.memref_squeeze %dma_start3A_373 : memref<1x64x128xf32, #tpu.memory_space<vmem>> -> memref<64x128xf32, #tpu.memory_space<vmem>>
      tpu.enqueue_dma source(%dma_start3A_374 : memref<64x128xf32, #tpu.memory_space<vmem>>) target(%dma_start3A_370 : memref<64x128xf32, #tpu.memory_space<hbm>>) target_semaphore(%dma_start3A_368 : memref<!tpu.dma_semaphore, #tpu.memory_space<semaphore_mem>>)
      %add3A_375 = arith.constant 10 : i32
      %add3A_376 = arith.addi %add3A_341, %add3A_375 : i32
      %sub3A_377 = arith.constant 1 : i32
      %sub3A_378 = arith.subi %add3A_376, %sub3A_377 : i32
      %sub3A_379 = arith.constant 1 : i32
      %sub3A_380 = arith.subi %add3A_341, %sub3A_379 : i32
      %mul3A_381 = arith.constant 64 : i32
      %mul3A_382 = arith.muli %sub3A_380, %mul3A_381 : i32
      %add3A_383 = arith.addi %mul3A_2, %mul3A_382 : i32
      %dma_wait3A_384 = arith.constant 2 : i32
      %dma_wait3A_385 = arith.constant 2 : i32
      %dma_wait3A_386 = arith.constant 0 : i32
      %dma_wait3A_387 = arith.constant 0 : i32
      %dma_wait3A_388 = tpu.memref_slice %arg6[%dma_wait3A_384, %dma_wait3A_386, %dma_wait3A_387] : memref<10x64x128xf32, #tpu.memory_space<vmem>> -> memref<1x64x128xf32, #tpu.memory_space<vmem>>
      %dma_wait3A_389 = tpu.memref_squeeze %dma_wait3A_388 : memref<1x64x128xf32, #tpu.memory_space<vmem>> -> memref<64x128xf32, #tpu.memory_space<vmem>>
      %dma_wait3A_390 = arith.constant 0 : i32
      %dma_wait3A_391 = tpu.memref_slice %arg4[%add3A_383, %dma_wait3A_390] : memref<204800x128xf32, #tpu.memory_space<hbm>> -> memref<64x128xf32, #tpu.memory_space<hbm>>
      %dma_wait3A_392 = tpu.memref_slice %arg9[%dma_wait3A_385] : memref<10x!tpu.dma_semaphore, #tpu.memory_space<semaphore_mem>> -> memref<1x!tpu.dma_semaphore, #tpu.memory_space<semaphore_mem>>
      %dma_wait3A_393 = tpu.memref_squeeze %dma_wait3A_392 : memref<1x!tpu.dma_semaphore, #tpu.memory_space<semaphore_mem>> -> memref<!tpu.dma_semaphore, #tpu.memory_space<semaphore_mem>>
      %dma_wait3A_394 = arith.constant 0 : i32
      %dma_wait3A_395 = tpu.memref_slice %arg4[%add3A_383, %dma_wait3A_394] : memref<204800x128xf32, #tpu.memory_space<hbm>> -> memref<64x128xf32, #tpu.memory_space<hbm>>
      %dma_wait3A_396 = arith.constant 0 : i32
      %dma_wait3A_397 = arith.constant 0 : i32
      %dma_wait3A_398 = tpu.memref_slice %arg6[%dma_wait3A_384, %dma_wait3A_396, %dma_wait3A_397] : memref<10x64x128xf32, #tpu.memory_space<vmem>> -> memref<1x64x128xf32, #tpu.memory_space<vmem>>
      %dma_wait3A_399 = tpu.memref_squeeze %dma_wait3A_398 : memref<1x64x128xf32, #tpu.memory_space<vmem>> -> memref<64x128xf32, #tpu.memory_space<vmem>>
      tpu.wait_dma2 semaphore(%dma_wait3A_393 : memref<!tpu.dma_semaphore, #tpu.memory_space<semaphore_mem>>) src(%dma_wait3A_399 : memref<64x128xf32, #tpu.memory_space<vmem>>) dst(%dma_wait3A_395 : memref<64x128xf32, #tpu.memory_space<hbm>>)
      %lt3A_400 = arith.constant 100 : i32
      %lt3A_401 = arith.cmpi slt, %sub3A_378, %lt3A_400 : i32
      %convert_element_type3A_402 = arith.extui %lt3A_401 : i1 to i32
      %cond3A_403 = arith.constant 0 : i32
      %cond3A_404 = arith.cmpi ne, %convert_element_type3A_402, %cond3A_403 : i32
      scf.if %cond3A_404 {
        %dma_start3A_795 = arith.constant 2 : i32
        %dma_start3A_796 = arith.constant 2 : i32
        %dma_start3A_797 = arith.constant 0 : i32
        %dma_start3A_798 = arith.constant 0 : i32
        %dma_start3A_799 = tpu.memref_slice %arg6[%dma_start3A_795, %dma_start3A_797, %dma_start3A_798] : memref<10x64x128xf32, #tpu.memory_space<vmem>> -> memref<1x64x128xf32, #tpu.memory_space<vmem>>
        %dma_start3A_800 = tpu.memref_squeeze %dma_start3A_799 : memref<1x64x128xf32, #tpu.memory_space<vmem>> -> memref<64x128xf32, #tpu.memory_space<vmem>>
        %dma_start3A_801 = arith.constant 0 : i32
        %dma_start3A_802 = tpu.memref_slice %arg5[%sub3A_378, %dma_start3A_801] : memref<100x64xi32, #tpu.memory_space<vmem>> -> memref<1x64xi32, #tpu.memory_space<vmem>>
        %dma_start3A_803 = tpu.memref_squeeze %dma_start3A_802 : memref<1x64xi32, #tpu.memory_space<vmem>> -> memref<64xi32, #tpu.memory_space<vmem>>
        %dma_start3A_804 = arith.constant 0 : i32
        %dma_start3A_805 = arith.constant 0 : i32
        %dma_start3A_806 = tpu.memref_slice %arg7[%dma_start3A_804, %dma_start3A_805] : memref<2048x128xf32, #tpu.memory_space<vmem_shared>> -> memref<2048x128xf32, #tpu.memory_space<vmem_shared>>
        %dma_start3A_807 = tpu.memref_slice %arg8[%dma_start3A_796] : memref<10x!tpu.dma_semaphore, #tpu.memory_space<semaphore_mem>> -> memref<1x!tpu.dma_semaphore, #tpu.memory_space<semaphore_mem>>
        %dma_start3A_808 = tpu.memref_squeeze %dma_start3A_807 : memref<1x!tpu.dma_semaphore, #tpu.memory_space<semaphore_mem>> -> memref<!tpu.dma_semaphore, #tpu.memory_space<semaphore_mem>>
        tpu.enqueue_indirect_dma source(%dma_start3A_806 : memref<2048x128xf32, #tpu.memory_space<vmem_shared>>) target(%dma_start3A_800 : memref<64x128xf32, #tpu.memory_space<vmem>>) offsets(%dma_start3A_803 : memref<64xi32, #tpu.memory_space<vmem>>) semaphore(%dma_start3A_808 : memref<!tpu.dma_semaphore, #tpu.memory_space<semaphore_mem>>)
      } else {
      }
      %add3A_405 = arith.constant 4 : i32
      %add3A_406 = arith.addi %mul3A_165, %add3A_405 : i32
      %dma_wait3A_407 = arith.constant 4 : i32
      %dma_wait3A_408 = arith.constant 4 : i32
      %dma_wait3A_409 = arith.constant 0 : i32
      %dma_wait3A_410 = arith.constant 0 : i32
      %dma_wait3A_411 = tpu.memref_slice %arg6[%dma_wait3A_407, %dma_wait3A_409, %dma_wait3A_410] : memref<10x64x128xf32, #tpu.memory_space<vmem>> -> memref<1x64x128xf32, #tpu.memory_space<vmem>>
      %dma_wait3A_412 = tpu.memref_squeeze %dma_wait3A_411 : memref<1x64x128xf32, #tpu.memory_space<vmem>> -> memref<64x128xf32, #tpu.memory_space<vmem>>
      %dma_wait3A_413 = arith.constant 0 : i32
      %dma_wait3A_414 = tpu.memref_slice %arg5[%add3A_406, %dma_wait3A_413] : memref<100x64xi32, #tpu.memory_space<vmem>> -> memref<1x64xi32, #tpu.memory_space<vmem>>
      %dma_wait3A_415 = tpu.memref_squeeze %dma_wait3A_414 : memref<1x64xi32, #tpu.memory_space<vmem>> -> memref<64xi32, #tpu.memory_space<vmem>>
      %dma_wait3A_416 = arith.constant 0 : i32
      %dma_wait3A_417 = arith.constant 0 : i32
      %dma_wait3A_418 = tpu.memref_slice %arg7[%dma_wait3A_416, %dma_wait3A_417] : memref<2048x128xf32, #tpu.memory_space<vmem_shared>> -> memref<2048x128xf32, #tpu.memory_space<vmem_shared>>
      %dma_wait3A_419 = tpu.memref_slice %arg8[%dma_wait3A_408] : memref<10x!tpu.dma_semaphore, #tpu.memory_space<semaphore_mem>> -> memref<1x!tpu.dma_semaphore, #tpu.memory_space<semaphore_mem>>
      %dma_wait3A_420 = tpu.memref_squeeze %dma_wait3A_419 : memref<1x!tpu.dma_semaphore, #tpu.memory_space<semaphore_mem>> -> memref<!tpu.dma_semaphore, #tpu.memory_space<semaphore_mem>>
      tpu.wait_indirect_dma semaphore(%dma_wait3A_420 : memref<!tpu.dma_semaphore, #tpu.memory_space<semaphore_mem>>) src(%dma_wait3A_418 : memref<2048x128xf32, #tpu.memory_space<vmem_shared>>) dst(%dma_wait3A_412 : memref<64x128xf32, #tpu.memory_space<vmem>>)
      %mul3A_421 = arith.constant 64 : i32
      %mul3A_422 = arith.muli %add3A_406, %mul3A_421 : i32
      %add3A_423 = arith.addi %mul3A_2, %mul3A_422 : i32
      %dma_start3A_424 = arith.constant 4 : i32
      %dma_start3A_425 = arith.constant 4 : i32
      %dma_start3A_426 = arith.constant 0 : i32
      %dma_start3A_427 = arith.constant 0 : i32
      %dma_start3A_428 = tpu.memref_slice %arg6[%dma_start3A_424, %dma_start3A_426, %dma_start3A_427] : memref<10x64x128xf32, #tpu.memory_space<vmem>> -> memref<1x64x128xf32, #tpu.memory_space<vmem>>
      %dma_start3A_429 = tpu.memref_squeeze %dma_start3A_428 : memref<1x64x128xf32, #tpu.memory_space<vmem>> -> memref<64x128xf32, #tpu.memory_space<vmem>>
      %dma_start3A_430 = arith.constant 0 : i32
      %dma_start3A_431 = tpu.memref_slice %arg4[%add3A_423, %dma_start3A_430] : memref<204800x128xf32, #tpu.memory_space<hbm>> -> memref<64x128xf32, #tpu.memory_space<hbm>>
      %dma_start3A_432 = tpu.memref_slice %arg9[%dma_start3A_425] : memref<10x!tpu.dma_semaphore, #tpu.memory_space<semaphore_mem>> -> memref<1x!tpu.dma_semaphore, #tpu.memory_space<semaphore_mem>>
      %dma_start3A_433 = tpu.memref_squeeze %dma_start3A_432 : memref<1x!tpu.dma_semaphore, #tpu.memory_space<semaphore_mem>> -> memref<!tpu.dma_semaphore, #tpu.memory_space<semaphore_mem>>
      %dma_start3A_434 = arith.constant 0 : i32
      %dma_start3A_435 = tpu.memref_slice %arg4[%add3A_423, %dma_start3A_434] : memref<204800x128xf32, #tpu.memory_space<hbm>> -> memref<64x128xf32, #tpu.memory_space<hbm>>
      %dma_start3A_436 = arith.constant 0 : i32
      %dma_start3A_437 = arith.constant 0 : i32
      %dma_start3A_438 = tpu.memref_slice %arg6[%dma_start3A_424, %dma_start3A_436, %dma_start3A_437] : memref<10x64x128xf32, #tpu.memory_space<vmem>> -> memref<1x64x128xf32, #tpu.memory_space<vmem>>
      %dma_start3A_439 = tpu.memref_squeeze %dma_start3A_438 : memref<1x64x128xf32, #tpu.memory_space<vmem>> -> memref<64x128xf32, #tpu.memory_space<vmem>>
      tpu.enqueue_dma source(%dma_start3A_439 : memref<64x128xf32, #tpu.memory_space<vmem>>) target(%dma_start3A_435 : memref<64x128xf32, #tpu.memory_space<hbm>>) target_semaphore(%dma_start3A_433 : memref<!tpu.dma_semaphore, #tpu.memory_space<semaphore_mem>>)
      %add3A_440 = arith.constant 10 : i32
      %add3A_441 = arith.addi %add3A_406, %add3A_440 : i32
      %sub3A_442 = arith.constant 1 : i32
      %sub3A_443 = arith.subi %add3A_441, %sub3A_442 : i32
      %sub3A_444 = arith.constant 1 : i32
      %sub3A_445 = arith.subi %add3A_406, %sub3A_444 : i32
      %mul3A_446 = arith.constant 64 : i32
      %mul3A_447 = arith.muli %sub3A_445, %mul3A_446 : i32
      %add3A_448 = arith.addi %mul3A_2, %mul3A_447 : i32
      %dma_wait3A_449 = arith.constant 3 : i32
      %dma_wait3A_450 = arith.constant 3 : i32
      %dma_wait3A_451 = arith.constant 0 : i32
      %dma_wait3A_452 = arith.constant 0 : i32
      %dma_wait3A_453 = tpu.memref_slice %arg6[%dma_wait3A_449, %dma_wait3A_451, %dma_wait3A_452] : memref<10x64x128xf32, #tpu.memory_space<vmem>> -> memref<1x64x128xf32, #tpu.memory_space<vmem>>
      %dma_wait3A_454 = tpu.memref_squeeze %dma_wait3A_453 : memref<1x64x128xf32, #tpu.memory_space<vmem>> -> memref<64x128xf32, #tpu.memory_space<vmem>>
      %dma_wait3A_455 = arith.constant 0 : i32
      %dma_wait3A_456 = tpu.memref_slice %arg4[%add3A_448, %dma_wait3A_455] : memref<204800x128xf32, #tpu.memory_space<hbm>> -> memref<64x128xf32, #tpu.memory_space<hbm>>
      %dma_wait3A_457 = tpu.memref_slice %arg9[%dma_wait3A_450] : memref<10x!tpu.dma_semaphore, #tpu.memory_space<semaphore_mem>> -> memref<1x!tpu.dma_semaphore, #tpu.memory_space<semaphore_mem>>
      %dma_wait3A_458 = tpu.memref_squeeze %dma_wait3A_457 : memref<1x!tpu.dma_semaphore, #tpu.memory_space<semaphore_mem>> -> memref<!tpu.dma_semaphore, #tpu.memory_space<semaphore_mem>>
      %dma_wait3A_459 = arith.constant 0 : i32
      %dma_wait3A_460 = tpu.memref_slice %arg4[%add3A_448, %dma_wait3A_459] : memref<204800x128xf32, #tpu.memory_space<hbm>> -> memref<64x128xf32, #tpu.memory_space<hbm>>
      %dma_wait3A_461 = arith.constant 0 : i32
      %dma_wait3A_462 = arith.constant 0 : i32
      %dma_wait3A_463 = tpu.memref_slice %arg6[%dma_wait3A_449, %dma_wait3A_461, %dma_wait3A_462] : memref<10x64x128xf32, #tpu.memory_space<vmem>> -> memref<1x64x128xf32, #tpu.memory_space<vmem>>
      %dma_wait3A_464 = tpu.memref_squeeze %dma_wait3A_463 : memref<1x64x128xf32, #tpu.memory_space<vmem>> -> memref<64x128xf32, #tpu.memory_space<vmem>>
      tpu.wait_dma2 semaphore(%dma_wait3A_458 : memref<!tpu.dma_semaphore, #tpu.memory_space<semaphore_mem>>) src(%dma_wait3A_464 : memref<64x128xf32, #tpu.memory_space<vmem>>) dst(%dma_wait3A_460 : memref<64x128xf32, #tpu.memory_space<hbm>>)
      %lt3A_465 = arith.constant 100 : i32
      %lt3A_466 = arith.cmpi slt, %sub3A_443, %lt3A_465 : i32
      %convert_element_type3A_467 = arith.extui %lt3A_466 : i1 to i32
      %cond3A_468 = arith.constant 0 : i32
      %cond3A_469 = arith.cmpi ne, %convert_element_type3A_467, %cond3A_468 : i32
      scf.if %cond3A_469 {
        %dma_start3A_795 = arith.constant 3 : i32
        %dma_start3A_796 = arith.constant 3 : i32
        %dma_start3A_797 = arith.constant 0 : i32
        %dma_start3A_798 = arith.constant 0 : i32
        %dma_start3A_799 = tpu.memref_slice %arg6[%dma_start3A_795, %dma_start3A_797, %dma_start3A_798] : memref<10x64x128xf32, #tpu.memory_space<vmem>> -> memref<1x64x128xf32, #tpu.memory_space<vmem>>
        %dma_start3A_800 = tpu.memref_squeeze %dma_start3A_799 : memref<1x64x128xf32, #tpu.memory_space<vmem>> -> memref<64x128xf32, #tpu.memory_space<vmem>>
        %dma_start3A_801 = arith.constant 0 : i32
        %dma_start3A_802 = tpu.memref_slice %arg5[%sub3A_443, %dma_start3A_801] : memref<100x64xi32, #tpu.memory_space<vmem>> -> memref<1x64xi32, #tpu.memory_space<vmem>>
        %dma_start3A_803 = tpu.memref_squeeze %dma_start3A_802 : memref<1x64xi32, #tpu.memory_space<vmem>> -> memref<64xi32, #tpu.memory_space<vmem>>
        %dma_start3A_804 = arith.constant 0 : i32
        %dma_start3A_805 = arith.constant 0 : i32
        %dma_start3A_806 = tpu.memref_slice %arg7[%dma_start3A_804, %dma_start3A_805] : memref<2048x128xf32, #tpu.memory_space<vmem_shared>> -> memref<2048x128xf32, #tpu.memory_space<vmem_shared>>
        %dma_start3A_807 = tpu.memref_slice %arg8[%dma_start3A_796] : memref<10x!tpu.dma_semaphore, #tpu.memory_space<semaphore_mem>> -> memref<1x!tpu.dma_semaphore, #tpu.memory_space<semaphore_mem>>
        %dma_start3A_808 = tpu.memref_squeeze %dma_start3A_807 : memref<1x!tpu.dma_semaphore, #tpu.memory_space<semaphore_mem>> -> memref<!tpu.dma_semaphore, #tpu.memory_space<semaphore_mem>>
        tpu.enqueue_indirect_dma source(%dma_start3A_806 : memref<2048x128xf32, #tpu.memory_space<vmem_shared>>) target(%dma_start3A_800 : memref<64x128xf32, #tpu.memory_space<vmem>>) offsets(%dma_start3A_803 : memref<64xi32, #tpu.memory_space<vmem>>) semaphore(%dma_start3A_808 : memref<!tpu.dma_semaphore, #tpu.memory_space<semaphore_mem>>)
      } else {
      }
      %add3A_470 = arith.constant 5 : i32
      %add3A_471 = arith.addi %mul3A_165, %add3A_470 : i32
      %dma_wait3A_472 = arith.constant 5 : i32
      %dma_wait3A_473 = arith.constant 5 : i32
      %dma_wait3A_474 = arith.constant 0 : i32
      %dma_wait3A_475 = arith.constant 0 : i32
      %dma_wait3A_476 = tpu.memref_slice %arg6[%dma_wait3A_472, %dma_wait3A_474, %dma_wait3A_475] : memref<10x64x128xf32, #tpu.memory_space<vmem>> -> memref<1x64x128xf32, #tpu.memory_space<vmem>>
      %dma_wait3A_477 = tpu.memref_squeeze %dma_wait3A_476 : memref<1x64x128xf32, #tpu.memory_space<vmem>> -> memref<64x128xf32, #tpu.memory_space<vmem>>
      %dma_wait3A_478 = arith.constant 0 : i32
      %dma_wait3A_479 = tpu.memref_slice %arg5[%add3A_471, %dma_wait3A_478] : memref<100x64xi32, #tpu.memory_space<vmem>> -> memref<1x64xi32, #tpu.memory_space<vmem>>
      %dma_wait3A_480 = tpu.memref_squeeze %dma_wait3A_479 : memref<1x64xi32, #tpu.memory_space<vmem>> -> memref<64xi32, #tpu.memory_space<vmem>>
      %dma_wait3A_481 = arith.constant 0 : i32
      %dma_wait3A_482 = arith.constant 0 : i32
      %dma_wait3A_483 = tpu.memref_slice %arg7[%dma_wait3A_481, %dma_wait3A_482] : memref<2048x128xf32, #tpu.memory_space<vmem_shared>> -> memref<2048x128xf32, #tpu.memory_space<vmem_shared>>
      %dma_wait3A_484 = tpu.memref_slice %arg8[%dma_wait3A_473] : memref<10x!tpu.dma_semaphore, #tpu.memory_space<semaphore_mem>> -> memref<1x!tpu.dma_semaphore, #tpu.memory_space<semaphore_mem>>
      %dma_wait3A_485 = tpu.memref_squeeze %dma_wait3A_484 : memref<1x!tpu.dma_semaphore, #tpu.memory_space<semaphore_mem>> -> memref<!tpu.dma_semaphore, #tpu.memory_space<semaphore_mem>>
      tpu.wait_indirect_dma semaphore(%dma_wait3A_485 : memref<!tpu.dma_semaphore, #tpu.memory_space<semaphore_mem>>) src(%dma_wait3A_483 : memref<2048x128xf32, #tpu.memory_space<vmem_shared>>) dst(%dma_wait3A_477 : memref<64x128xf32, #tpu.memory_space<vmem>>)
      %mul3A_486 = arith.constant 64 : i32
      %mul3A_487 = arith.muli %add3A_471, %mul3A_486 : i32
      %add3A_488 = arith.addi %mul3A_2, %mul3A_487 : i32
      %dma_start3A_489 = arith.constant 5 : i32
      %dma_start3A_490 = arith.constant 5 : i32
      %dma_start3A_491 = arith.constant 0 : i32
      %dma_start3A_492 = arith.constant 0 : i32
      %dma_start3A_493 = tpu.memref_slice %arg6[%dma_start3A_489, %dma_start3A_491, %dma_start3A_492] : memref<10x64x128xf32, #tpu.memory_space<vmem>> -> memref<1x64x128xf32, #tpu.memory_space<vmem>>
      %dma_start3A_494 = tpu.memref_squeeze %dma_start3A_493 : memref<1x64x128xf32, #tpu.memory_space<vmem>> -> memref<64x128xf32, #tpu.memory_space<vmem>>
      %dma_start3A_495 = arith.constant 0 : i32
      %dma_start3A_496 = tpu.memref_slice %arg4[%add3A_488, %dma_start3A_495] : memref<204800x128xf32, #tpu.memory_space<hbm>> -> memref<64x128xf32, #tpu.memory_space<hbm>>
      %dma_start3A_497 = tpu.memref_slice %arg9[%dma_start3A_490] : memref<10x!tpu.dma_semaphore, #tpu.memory_space<semaphore_mem>> -> memref<1x!tpu.dma_semaphore, #tpu.memory_space<semaphore_mem>>
      %dma_start3A_498 = tpu.memref_squeeze %dma_start3A_497 : memref<1x!tpu.dma_semaphore, #tpu.memory_space<semaphore_mem>> -> memref<!tpu.dma_semaphore, #tpu.memory_space<semaphore_mem>>
      %dma_start3A_499 = arith.constant 0 : i32
      %dma_start3A_500 = tpu.memref_slice %arg4[%add3A_488, %dma_start3A_499] : memref<204800x128xf32, #tpu.memory_space<hbm>> -> memref<64x128xf32, #tpu.memory_space<hbm>>
      %dma_start3A_501 = arith.constant 0 : i32
      %dma_start3A_502 = arith.constant 0 : i32
      %dma_start3A_503 = tpu.memref_slice %arg6[%dma_start3A_489, %dma_start3A_501, %dma_start3A_502] : memref<10x64x128xf32, #tpu.memory_space<vmem>> -> memref<1x64x128xf32, #tpu.memory_space<vmem>>
      %dma_start3A_504 = tpu.memref_squeeze %dma_start3A_503 : memref<1x64x128xf32, #tpu.memory_space<vmem>> -> memref<64x128xf32, #tpu.memory_space<vmem>>
      tpu.enqueue_dma source(%dma_start3A_504 : memref<64x128xf32, #tpu.memory_space<vmem>>) target(%dma_start3A_500 : memref<64x128xf32, #tpu.memory_space<hbm>>) target_semaphore(%dma_start3A_498 : memref<!tpu.dma_semaphore, #tpu.memory_space<semaphore_mem>>)
      %add3A_505 = arith.constant 10 : i32
      %add3A_506 = arith.addi %add3A_471, %add3A_505 : i32
      %sub3A_507 = arith.constant 1 : i32
      %sub3A_508 = arith.subi %add3A_506, %sub3A_507 : i32
      %sub3A_509 = arith.constant 1 : i32
      %sub3A_510 = arith.subi %add3A_471, %sub3A_509 : i32
      %mul3A_511 = arith.constant 64 : i32
      %mul3A_512 = arith.muli %sub3A_510, %mul3A_511 : i32
      %add3A_513 = arith.addi %mul3A_2, %mul3A_512 : i32
      %dma_wait3A_514 = arith.constant 4 : i32
      %dma_wait3A_515 = arith.constant 4 : i32
      %dma_wait3A_516 = arith.constant 0 : i32
      %dma_wait3A_517 = arith.constant 0 : i32
      %dma_wait3A_518 = tpu.memref_slice %arg6[%dma_wait3A_514, %dma_wait3A_516, %dma_wait3A_517] : memref<10x64x128xf32, #tpu.memory_space<vmem>> -> memref<1x64x128xf32, #tpu.memory_space<vmem>>
      %dma_wait3A_519 = tpu.memref_squeeze %dma_wait3A_518 : memref<1x64x128xf32, #tpu.memory_space<vmem>> -> memref<64x128xf32, #tpu.memory_space<vmem>>
      %dma_wait3A_520 = arith.constant 0 : i32
      %dma_wait3A_521 = tpu.memref_slice %arg4[%add3A_513, %dma_wait3A_520] : memref<204800x128xf32, #tpu.memory_space<hbm>> -> memref<64x128xf32, #tpu.memory_space<hbm>>
      %dma_wait3A_522 = tpu.memref_slice %arg9[%dma_wait3A_515] : memref<10x!tpu.dma_semaphore, #tpu.memory_space<semaphore_mem>> -> memref<1x!tpu.dma_semaphore, #tpu.memory_space<semaphore_mem>>
      %dma_wait3A_523 = tpu.memref_squeeze %dma_wait3A_522 : memref<1x!tpu.dma_semaphore, #tpu.memory_space<semaphore_mem>> -> memref<!tpu.dma_semaphore, #tpu.memory_space<semaphore_mem>>
      %dma_wait3A_524 = arith.constant 0 : i32
      %dma_wait3A_525 = tpu.memref_slice %arg4[%add3A_513, %dma_wait3A_524] : memref<204800x128xf32, #tpu.memory_space<hbm>> -> memref<64x128xf32, #tpu.memory_space<hbm>>
      %dma_wait3A_526 = arith.constant 0 : i32
      %dma_wait3A_527 = arith.constant 0 : i32
      %dma_wait3A_528 = tpu.memref_slice %arg6[%dma_wait3A_514, %dma_wait3A_526, %dma_wait3A_527] : memref<10x64x128xf32, #tpu.memory_space<vmem>> -> memref<1x64x128xf32, #tpu.memory_space<vmem>>
      %dma_wait3A_529 = tpu.memref_squeeze %dma_wait3A_528 : memref<1x64x128xf32, #tpu.memory_space<vmem>> -> memref<64x128xf32, #tpu.memory_space<vmem>>
      tpu.wait_dma2 semaphore(%dma_wait3A_523 : memref<!tpu.dma_semaphore, #tpu.memory_space<semaphore_mem>>) src(%dma_wait3A_529 : memref<64x128xf32, #tpu.memory_space<vmem>>) dst(%dma_wait3A_525 : memref<64x128xf32, #tpu.memory_space<hbm>>)
      %lt3A_530 = arith.constant 100 : i32
      %lt3A_531 = arith.cmpi slt, %sub3A_508, %lt3A_530 : i32
      %convert_element_type3A_532 = arith.extui %lt3A_531 : i1 to i32
      %cond3A_533 = arith.constant 0 : i32
      %cond3A_534 = arith.cmpi ne, %convert_element_type3A_532, %cond3A_533 : i32
      scf.if %cond3A_534 {
        %dma_start3A_795 = arith.constant 4 : i32
        %dma_start3A_796 = arith.constant 4 : i32
        %dma_start3A_797 = arith.constant 0 : i32
        %dma_start3A_798 = arith.constant 0 : i32
        %dma_start3A_799 = tpu.memref_slice %arg6[%dma_start3A_795, %dma_start3A_797, %dma_start3A_798] : memref<10x64x128xf32, #tpu.memory_space<vmem>> -> memref<1x64x128xf32, #tpu.memory_space<vmem>>
        %dma_start3A_800 = tpu.memref_squeeze %dma_start3A_799 : memref<1x64x128xf32, #tpu.memory_space<vmem>> -> memref<64x128xf32, #tpu.memory_space<vmem>>
        %dma_start3A_801 = arith.constant 0 : i32
        %dma_start3A_802 = tpu.memref_slice %arg5[%sub3A_508, %dma_start3A_801] : memref<100x64xi32, #tpu.memory_space<vmem>> -> memref<1x64xi32, #tpu.memory_space<vmem>>
        %dma_start3A_803 = tpu.memref_squeeze %dma_start3A_802 : memref<1x64xi32, #tpu.memory_space<vmem>> -> memref<64xi32, #tpu.memory_space<vmem>>
        %dma_start3A_804 = arith.constant 0 : i32
        %dma_start3A_805 = arith.constant 0 : i32
        %dma_start3A_806 = tpu.memref_slice %arg7[%dma_start3A_804, %dma_start3A_805] : memref<2048x128xf32, #tpu.memory_space<vmem_shared>> -> memref<2048x128xf32, #tpu.memory_space<vmem_shared>>
        %dma_start3A_807 = tpu.memref_slice %arg8[%dma_start3A_796] : memref<10x!tpu.dma_semaphore, #tpu.memory_space<semaphore_mem>> -> memref<1x!tpu.dma_semaphore, #tpu.memory_space<semaphore_mem>>
        %dma_start3A_808 = tpu.memref_squeeze %dma_start3A_807 : memref<1x!tpu.dma_semaphore, #tpu.memory_space<semaphore_mem>> -> memref<!tpu.dma_semaphore, #tpu.memory_space<semaphore_mem>>
        tpu.enqueue_indirect_dma source(%dma_start3A_806 : memref<2048x128xf32, #tpu.memory_space<vmem_shared>>) target(%dma_start3A_800 : memref<64x128xf32, #tpu.memory_space<vmem>>) offsets(%dma_start3A_803 : memref<64xi32, #tpu.memory_space<vmem>>) semaphore(%dma_start3A_808 : memref<!tpu.dma_semaphore, #tpu.memory_space<semaphore_mem>>)
      } else {
      }
      %add3A_535 = arith.constant 6 : i32
      %add3A_536 = arith.addi %mul3A_165, %add3A_535 : i32
      %dma_wait3A_537 = arith.constant 6 : i32
      %dma_wait3A_538 = arith.constant 6 : i32
      %dma_wait3A_539 = arith.constant 0 : i32
      %dma_wait3A_540 = arith.constant 0 : i32
      %dma_wait3A_541 = tpu.memref_slice %arg6[%dma_wait3A_537, %dma_wait3A_539, %dma_wait3A_540] : memref<10x64x128xf32, #tpu.memory_space<vmem>> -> memref<1x64x128xf32, #tpu.memory_space<vmem>>
      %dma_wait3A_542 = tpu.memref_squeeze %dma_wait3A_541 : memref<1x64x128xf32, #tpu.memory_space<vmem>> -> memref<64x128xf32, #tpu.memory_space<vmem>>
      %dma_wait3A_543 = arith.constant 0 : i32
      %dma_wait3A_544 = tpu.memref_slice %arg5[%add3A_536, %dma_wait3A_543] : memref<100x64xi32, #tpu.memory_space<vmem>> -> memref<1x64xi32, #tpu.memory_space<vmem>>
      %dma_wait3A_545 = tpu.memref_squeeze %dma_wait3A_544 : memref<1x64xi32, #tpu.memory_space<vmem>> -> memref<64xi32, #tpu.memory_space<vmem>>
      %dma_wait3A_546 = arith.constant 0 : i32
      %dma_wait3A_547 = arith.constant 0 : i32
      %dma_wait3A_548 = tpu.memref_slice %arg7[%dma_wait3A_546, %dma_wait3A_547] : memref<2048x128xf32, #tpu.memory_space<vmem_shared>> -> memref<2048x128xf32, #tpu.memory_space<vmem_shared>>
      %dma_wait3A_549 = tpu.memref_slice %arg8[%dma_wait3A_538] : memref<10x!tpu.dma_semaphore, #tpu.memory_space<semaphore_mem>> -> memref<1x!tpu.dma_semaphore, #tpu.memory_space<semaphore_mem>>
      %dma_wait3A_550 = tpu.memref_squeeze %dma_wait3A_549 : memref<1x!tpu.dma_semaphore, #tpu.memory_space<semaphore_mem>> -> memref<!tpu.dma_semaphore, #tpu.memory_space<semaphore_mem>>
      tpu.wait_indirect_dma semaphore(%dma_wait3A_550 : memref<!tpu.dma_semaphore, #tpu.memory_space<semaphore_mem>>) src(%dma_wait3A_548 : memref<2048x128xf32, #tpu.memory_space<vmem_shared>>) dst(%dma_wait3A_542 : memref<64x128xf32, #tpu.memory_space<vmem>>)
      %mul3A_551 = arith.constant 64 : i32
      %mul3A_552 = arith.muli %add3A_536, %mul3A_551 : i32
      %add3A_553 = arith.addi %mul3A_2, %mul3A_552 : i32
      %dma_start3A_554 = arith.constant 6 : i32
      %dma_start3A_555 = arith.constant 6 : i32
      %dma_start3A_556 = arith.constant 0 : i32
      %dma_start3A_557 = arith.constant 0 : i32
      %dma_start3A_558 = tpu.memref_slice %arg6[%dma_start3A_554, %dma_start3A_556, %dma_start3A_557] : memref<10x64x128xf32, #tpu.memory_space<vmem>> -> memref<1x64x128xf32, #tpu.memory_space<vmem>>
      %dma_start3A_559 = tpu.memref_squeeze %dma_start3A_558 : memref<1x64x128xf32, #tpu.memory_space<vmem>> -> memref<64x128xf32, #tpu.memory_space<vmem>>
      %dma_start3A_560 = arith.constant 0 : i32
      %dma_start3A_561 = tpu.memref_slice %arg4[%add3A_553, %dma_start3A_560] : memref<204800x128xf32, #tpu.memory_space<hbm>> -> memref<64x128xf32, #tpu.memory_space<hbm>>
      %dma_start3A_562 = tpu.memref_slice %arg9[%dma_start3A_555] : memref<10x!tpu.dma_semaphore, #tpu.memory_space<semaphore_mem>> -> memref<1x!tpu.dma_semaphore, #tpu.memory_space<semaphore_mem>>
      %dma_start3A_563 = tpu.memref_squeeze %dma_start3A_562 : memref<1x!tpu.dma_semaphore, #tpu.memory_space<semaphore_mem>> -> memref<!tpu.dma_semaphore, #tpu.memory_space<semaphore_mem>>
      %dma_start3A_564 = arith.constant 0 : i32
      %dma_start3A_565 = tpu.memref_slice %arg4[%add3A_553, %dma_start3A_564] : memref<204800x128xf32, #tpu.memory_space<hbm>> -> memref<64x128xf32, #tpu.memory_space<hbm>>
      %dma_start3A_566 = arith.constant 0 : i32
      %dma_start3A_567 = arith.constant 0 : i32
      %dma_start3A_568 = tpu.memref_slice %arg6[%dma_start3A_554, %dma_start3A_566, %dma_start3A_567] : memref<10x64x128xf32, #tpu.memory_space<vmem>> -> memref<1x64x128xf32, #tpu.memory_space<vmem>>
      %dma_start3A_569 = tpu.memref_squeeze %dma_start3A_568 : memref<1x64x128xf32, #tpu.memory_space<vmem>> -> memref<64x128xf32, #tpu.memory_space<vmem>>
      tpu.enqueue_dma source(%dma_start3A_569 : memref<64x128xf32, #tpu.memory_space<vmem>>) target(%dma_start3A_565 : memref<64x128xf32, #tpu.memory_space<hbm>>) target_semaphore(%dma_start3A_563 : memref<!tpu.dma_semaphore, #tpu.memory_space<semaphore_mem>>)
      %add3A_570 = arith.constant 10 : i32
      %add3A_571 = arith.addi %add3A_536, %add3A_570 : i32
      %sub3A_572 = arith.constant 1 : i32
      %sub3A_573 = arith.subi %add3A_571, %sub3A_572 : i32
      %sub3A_574 = arith.constant 1 : i32
      %sub3A_575 = arith.subi %add3A_536, %sub3A_574 : i32
      %mul3A_576 = arith.constant 64 : i32
      %mul3A_577 = arith.muli %sub3A_575, %mul3A_576 : i32
      %add3A_578 = arith.addi %mul3A_2, %mul3A_577 : i32
      %dma_wait3A_579 = arith.constant 5 : i32
      %dma_wait3A_580 = arith.constant 5 : i32
      %dma_wait3A_581 = arith.constant 0 : i32
      %dma_wait3A_582 = arith.constant 0 : i32
      %dma_wait3A_583 = tpu.memref_slice %arg6[%dma_wait3A_579, %dma_wait3A_581, %dma_wait3A_582] : memref<10x64x128xf32, #tpu.memory_space<vmem>> -> memref<1x64x128xf32, #tpu.memory_space<vmem>>
      %dma_wait3A_584 = tpu.memref_squeeze %dma_wait3A_583 : memref<1x64x128xf32, #tpu.memory_space<vmem>> -> memref<64x128xf32, #tpu.memory_space<vmem>>
      %dma_wait3A_585 = arith.constant 0 : i32
      %dma_wait3A_586 = tpu.memref_slice %arg4[%add3A_578, %dma_wait3A_585] : memref<204800x128xf32, #tpu.memory_space<hbm>> -> memref<64x128xf32, #tpu.memory_space<hbm>>
      %dma_wait3A_587 = tpu.memref_slice %arg9[%dma_wait3A_580] : memref<10x!tpu.dma_semaphore, #tpu.memory_space<semaphore_mem>> -> memref<1x!tpu.dma_semaphore, #tpu.memory_space<semaphore_mem>>
      %dma_wait3A_588 = tpu.memref_squeeze %dma_wait3A_587 : memref<1x!tpu.dma_semaphore, #tpu.memory_space<semaphore_mem>> -> memref<!tpu.dma_semaphore, #tpu.memory_space<semaphore_mem>>
      %dma_wait3A_589 = arith.constant 0 : i32
      %dma_wait3A_590 = tpu.memref_slice %arg4[%add3A_578, %dma_wait3A_589] : memref<204800x128xf32, #tpu.memory_space<hbm>> -> memref<64x128xf32, #tpu.memory_space<hbm>>
      %dma_wait3A_591 = arith.constant 0 : i32
      %dma_wait3A_592 = arith.constant 0 : i32
      %dma_wait3A_593 = tpu.memref_slice %arg6[%dma_wait3A_579, %dma_wait3A_591, %dma_wait3A_592] : memref<10x64x128xf32, #tpu.memory_space<vmem>> -> memref<1x64x128xf32, #tpu.memory_space<vmem>>
      %dma_wait3A_594 = tpu.memref_squeeze %dma_wait3A_593 : memref<1x64x128xf32, #tpu.memory_space<vmem>> -> memref<64x128xf32, #tpu.memory_space<vmem>>
      tpu.wait_dma2 semaphore(%dma_wait3A_588 : memref<!tpu.dma_semaphore, #tpu.memory_space<semaphore_mem>>) src(%dma_wait3A_594 : memref<64x128xf32, #tpu.memory_space<vmem>>) dst(%dma_wait3A_590 : memref<64x128xf32, #tpu.memory_space<hbm>>)
      %lt3A_595 = arith.constant 100 : i32
      %lt3A_596 = arith.cmpi slt, %sub3A_573, %lt3A_595 : i32
      %convert_element_type3A_597 = arith.extui %lt3A_596 : i1 to i32
      %cond3A_598 = arith.constant 0 : i32
      %cond3A_599 = arith.cmpi ne, %convert_element_type3A_597, %cond3A_598 : i32
      scf.if %cond3A_599 {
        %dma_start3A_795 = arith.constant 5 : i32
        %dma_start3A_796 = arith.constant 5 : i32
        %dma_start3A_797 = arith.constant 0 : i32
        %dma_start3A_798 = arith.constant 0 : i32
        %dma_start3A_799 = tpu.memref_slice %arg6[%dma_start3A_795, %dma_start3A_797, %dma_start3A_798] : memref<10x64x128xf32, #tpu.memory_space<vmem>> -> memref<1x64x128xf32, #tpu.memory_space<vmem>>
        %dma_start3A_800 = tpu.memref_squeeze %dma_start3A_799 : memref<1x64x128xf32, #tpu.memory_space<vmem>> -> memref<64x128xf32, #tpu.memory_space<vmem>>
        %dma_start3A_801 = arith.constant 0 : i32
        %dma_start3A_802 = tpu.memref_slice %arg5[%sub3A_573, %dma_start3A_801] : memref<100x64xi32, #tpu.memory_space<vmem>> -> memref<1x64xi32, #tpu.memory_space<vmem>>
        %dma_start3A_803 = tpu.memref_squeeze %dma_start3A_802 : memref<1x64xi32, #tpu.memory_space<vmem>> -> memref<64xi32, #tpu.memory_space<vmem>>
        %dma_start3A_804 = arith.constant 0 : i32
        %dma_start3A_805 = arith.constant 0 : i32
        %dma_start3A_806 = tpu.memref_slice %arg7[%dma_start3A_804, %dma_start3A_805] : memref<2048x128xf32, #tpu.memory_space<vmem_shared>> -> memref<2048x128xf32, #tpu.memory_space<vmem_shared>>
        %dma_start3A_807 = tpu.memref_slice %arg8[%dma_start3A_796] : memref<10x!tpu.dma_semaphore, #tpu.memory_space<semaphore_mem>> -> memref<1x!tpu.dma_semaphore, #tpu.memory_space<semaphore_mem>>
        %dma_start3A_808 = tpu.memref_squeeze %dma_start3A_807 : memref<1x!tpu.dma_semaphore, #tpu.memory_space<semaphore_mem>> -> memref<!tpu.dma_semaphore, #tpu.memory_space<semaphore_mem>>
        tpu.enqueue_indirect_dma source(%dma_start3A_806 : memref<2048x128xf32, #tpu.memory_space<vmem_shared>>) target(%dma_start3A_800 : memref<64x128xf32, #tpu.memory_space<vmem>>) offsets(%dma_start3A_803 : memref<64xi32, #tpu.memory_space<vmem>>) semaphore(%dma_start3A_808 : memref<!tpu.dma_semaphore, #tpu.memory_space<semaphore_mem>>)
      } else {
      }
      %add3A_600 = arith.constant 7 : i32
      %add3A_601 = arith.addi %mul3A_165, %add3A_600 : i32
      %dma_wait3A_602 = arith.constant 7 : i32
      %dma_wait3A_603 = arith.constant 7 : i32
      %dma_wait3A_604 = arith.constant 0 : i32
      %dma_wait3A_605 = arith.constant 0 : i32
      %dma_wait3A_606 = tpu.memref_slice %arg6[%dma_wait3A_602, %dma_wait3A_604, %dma_wait3A_605] : memref<10x64x128xf32, #tpu.memory_space<vmem>> -> memref<1x64x128xf32, #tpu.memory_space<vmem>>
      %dma_wait3A_607 = tpu.memref_squeeze %dma_wait3A_606 : memref<1x64x128xf32, #tpu.memory_space<vmem>> -> memref<64x128xf32, #tpu.memory_space<vmem>>
      %dma_wait3A_608 = arith.constant 0 : i32
      %dma_wait3A_609 = tpu.memref_slice %arg5[%add3A_601, %dma_wait3A_608] : memref<100x64xi32, #tpu.memory_space<vmem>> -> memref<1x64xi32, #tpu.memory_space<vmem>>
      %dma_wait3A_610 = tpu.memref_squeeze %dma_wait3A_609 : memref<1x64xi32, #tpu.memory_space<vmem>> -> memref<64xi32, #tpu.memory_space<vmem>>
      %dma_wait3A_611 = arith.constant 0 : i32
      %dma_wait3A_612 = arith.constant 0 : i32
      %dma_wait3A_613 = tpu.memref_slice %arg7[%dma_wait3A_611, %dma_wait3A_612] : memref<2048x128xf32, #tpu.memory_space<vmem_shared>> -> memref<2048x128xf32, #tpu.memory_space<vmem_shared>>
      %dma_wait3A_614 = tpu.memref_slice %arg8[%dma_wait3A_603] : memref<10x!tpu.dma_semaphore, #tpu.memory_space<semaphore_mem>> -> memref<1x!tpu.dma_semaphore, #tpu.memory_space<semaphore_mem>>
      %dma_wait3A_615 = tpu.memref_squeeze %dma_wait3A_614 : memref<1x!tpu.dma_semaphore, #tpu.memory_space<semaphore_mem>> -> memref<!tpu.dma_semaphore, #tpu.memory_space<semaphore_mem>>
      tpu.wait_indirect_dma semaphore(%dma_wait3A_615 : memref<!tpu.dma_semaphore, #tpu.memory_space<semaphore_mem>>) src(%dma_wait3A_613 : memref<2048x128xf32, #tpu.memory_space<vmem_shared>>) dst(%dma_wait3A_607 : memref<64x128xf32, #tpu.memory_space<vmem>>)
      %mul3A_616 = arith.constant 64 : i32
      %mul3A_617 = arith.muli %add3A_601, %mul3A_616 : i32
      %add3A_618 = arith.addi %mul3A_2, %mul3A_617 : i32
      %dma_start3A_619 = arith.constant 7 : i32
      %dma_start3A_620 = arith.constant 7 : i32
      %dma_start3A_621 = arith.constant 0 : i32
      %dma_start3A_622 = arith.constant 0 : i32
      %dma_start3A_623 = tpu.memref_slice %arg6[%dma_start3A_619, %dma_start3A_621, %dma_start3A_622] : memref<10x64x128xf32, #tpu.memory_space<vmem>> -> memref<1x64x128xf32, #tpu.memory_space<vmem>>
      %dma_start3A_624 = tpu.memref_squeeze %dma_start3A_623 : memref<1x64x128xf32, #tpu.memory_space<vmem>> -> memref<64x128xf32, #tpu.memory_space<vmem>>
      %dma_start3A_625 = arith.constant 0 : i32
      %dma_start3A_626 = tpu.memref_slice %arg4[%add3A_618, %dma_start3A_625] : memref<204800x128xf32, #tpu.memory_space<hbm>> -> memref<64x128xf32, #tpu.memory_space<hbm>>
      %dma_start3A_627 = tpu.memref_slice %arg9[%dma_start3A_620] : memref<10x!tpu.dma_semaphore, #tpu.memory_space<semaphore_mem>> -> memref<1x!tpu.dma_semaphore, #tpu.memory_space<semaphore_mem>>
      %dma_start3A_628 = tpu.memref_squeeze %dma_start3A_627 : memref<1x!tpu.dma_semaphore, #tpu.memory_space<semaphore_mem>> -> memref<!tpu.dma_semaphore, #tpu.memory_space<semaphore_mem>>
      %dma_start3A_629 = arith.constant 0 : i32
      %dma_start3A_630 = tpu.memref_slice %arg4[%add3A_618, %dma_start3A_629] : memref<204800x128xf32, #tpu.memory_space<hbm>> -> memref<64x128xf32, #tpu.memory_space<hbm>>
      %dma_start3A_631 = arith.constant 0 : i32
      %dma_start3A_632 = arith.constant 0 : i32
      %dma_start3A_633 = tpu.memref_slice %arg6[%dma_start3A_619, %dma_start3A_631, %dma_start3A_632] : memref<10x64x128xf32, #tpu.memory_space<vmem>> -> memref<1x64x128xf32, #tpu.memory_space<vmem>>
      %dma_start3A_634 = tpu.memref_squeeze %dma_start3A_633 : memref<1x64x128xf32, #tpu.memory_space<vmem>> -> memref<64x128xf32, #tpu.memory_space<vmem>>
      tpu.enqueue_dma source(%dma_start3A_634 : memref<64x128xf32, #tpu.memory_space<vmem>>) target(%dma_start3A_630 : memref<64x128xf32, #tpu.memory_space<hbm>>) target_semaphore(%dma_start3A_628 : memref<!tpu.dma_semaphore, #tpu.memory_space<semaphore_mem>>)
      %add3A_635 = arith.constant 10 : i32
      %add3A_636 = arith.addi %add3A_601, %add3A_635 : i32
      %sub3A_637 = arith.constant 1 : i32
      %sub3A_638 = arith.subi %add3A_636, %sub3A_637 : i32
      %sub3A_639 = arith.constant 1 : i32
      %sub3A_640 = arith.subi %add3A_601, %sub3A_639 : i32
      %mul3A_641 = arith.constant 64 : i32
      %mul3A_642 = arith.muli %sub3A_640, %mul3A_641 : i32
      %add3A_643 = arith.addi %mul3A_2, %mul3A_642 : i32
      %dma_wait3A_644 = arith.constant 6 : i32
      %dma_wait3A_645 = arith.constant 6 : i32
      %dma_wait3A_646 = arith.constant 0 : i32
      %dma_wait3A_647 = arith.constant 0 : i32
      %dma_wait3A_648 = tpu.memref_slice %arg6[%dma_wait3A_644, %dma_wait3A_646, %dma_wait3A_647] : memref<10x64x128xf32, #tpu.memory_space<vmem>> -> memref<1x64x128xf32, #tpu.memory_space<vmem>>
      %dma_wait3A_649 = tpu.memref_squeeze %dma_wait3A_648 : memref<1x64x128xf32, #tpu.memory_space<vmem>> -> memref<64x128xf32, #tpu.memory_space<vmem>>
      %dma_wait3A_650 = arith.constant 0 : i32
      %dma_wait3A_651 = tpu.memref_slice %arg4[%add3A_643, %dma_wait3A_650] : memref<204800x128xf32, #tpu.memory_space<hbm>> -> memref<64x128xf32, #tpu.memory_space<hbm>>
      %dma_wait3A_652 = tpu.memref_slice %arg9[%dma_wait3A_645] : memref<10x!tpu.dma_semaphore, #tpu.memory_space<semaphore_mem>> -> memref<1x!tpu.dma_semaphore, #tpu.memory_space<semaphore_mem>>
      %dma_wait3A_653 = tpu.memref_squeeze %dma_wait3A_652 : memref<1x!tpu.dma_semaphore, #tpu.memory_space<semaphore_mem>> -> memref<!tpu.dma_semaphore, #tpu.memory_space<semaphore_mem>>
      %dma_wait3A_654 = arith.constant 0 : i32
      %dma_wait3A_655 = tpu.memref_slice %arg4[%add3A_643, %dma_wait3A_654] : memref<204800x128xf32, #tpu.memory_space<hbm>> -> memref<64x128xf32, #tpu.memory_space<hbm>>
      %dma_wait3A_656 = arith.constant 0 : i32
      %dma_wait3A_657 = arith.constant 0 : i32
      %dma_wait3A_658 = tpu.memref_slice %arg6[%dma_wait3A_644, %dma_wait3A_656, %dma_wait3A_657] : memref<10x64x128xf32, #tpu.memory_space<vmem>> -> memref<1x64x128xf32, #tpu.memory_space<vmem>>
      %dma_wait3A_659 = tpu.memref_squeeze %dma_wait3A_658 : memref<1x64x128xf32, #tpu.memory_space<vmem>> -> memref<64x128xf32, #tpu.memory_space<vmem>>
      tpu.wait_dma2 semaphore(%dma_wait3A_653 : memref<!tpu.dma_semaphore, #tpu.memory_space<semaphore_mem>>) src(%dma_wait3A_659 : memref<64x128xf32, #tpu.memory_space<vmem>>) dst(%dma_wait3A_655 : memref<64x128xf32, #tpu.memory_space<hbm>>)
      %lt3A_660 = arith.constant 100 : i32
      %lt3A_661 = arith.cmpi slt, %sub3A_638, %lt3A_660 : i32
      %convert_element_type3A_662 = arith.extui %lt3A_661 : i1 to i32
      %cond3A_663 = arith.constant 0 : i32
      %cond3A_664 = arith.cmpi ne, %convert_element_type3A_662, %cond3A_663 : i32
      scf.if %cond3A_664 {
        %dma_start3A_795 = arith.constant 6 : i32
        %dma_start3A_796 = arith.constant 6 : i32
        %dma_start3A_797 = arith.constant 0 : i32
        %dma_start3A_798 = arith.constant 0 : i32
        %dma_start3A_799 = tpu.memref_slice %arg6[%dma_start3A_795, %dma_start3A_797, %dma_start3A_798] : memref<10x64x128xf32, #tpu.memory_space<vmem>> -> memref<1x64x128xf32, #tpu.memory_space<vmem>>
        %dma_start3A_800 = tpu.memref_squeeze %dma_start3A_799 : memref<1x64x128xf32, #tpu.memory_space<vmem>> -> memref<64x128xf32, #tpu.memory_space<vmem>>
        %dma_start3A_801 = arith.constant 0 : i32
        %dma_start3A_802 = tpu.memref_slice %arg5[%sub3A_638, %dma_start3A_801] : memref<100x64xi32, #tpu.memory_space<vmem>> -> memref<1x64xi32, #tpu.memory_space<vmem>>
        %dma_start3A_803 = tpu.memref_squeeze %dma_start3A_802 : memref<1x64xi32, #tpu.memory_space<vmem>> -> memref<64xi32, #tpu.memory_space<vmem>>
        %dma_start3A_804 = arith.constant 0 : i32
        %dma_start3A_805 = arith.constant 0 : i32
        %dma_start3A_806 = tpu.memref_slice %arg7[%dma_start3A_804, %dma_start3A_805] : memref<2048x128xf32, #tpu.memory_space<vmem_shared>> -> memref<2048x128xf32, #tpu.memory_space<vmem_shared>>
        %dma_start3A_807 = tpu.memref_slice %arg8[%dma_start3A_796] : memref<10x!tpu.dma_semaphore, #tpu.memory_space<semaphore_mem>> -> memref<1x!tpu.dma_semaphore, #tpu.memory_space<semaphore_mem>>
        %dma_start3A_808 = tpu.memref_squeeze %dma_start3A_807 : memref<1x!tpu.dma_semaphore, #tpu.memory_space<semaphore_mem>> -> memref<!tpu.dma_semaphore, #tpu.memory_space<semaphore_mem>>
        tpu.enqueue_indirect_dma source(%dma_start3A_806 : memref<2048x128xf32, #tpu.memory_space<vmem_shared>>) target(%dma_start3A_800 : memref<64x128xf32, #tpu.memory_space<vmem>>) offsets(%dma_start3A_803 : memref<64xi32, #tpu.memory_space<vmem>>) semaphore(%dma_start3A_808 : memref<!tpu.dma_semaphore, #tpu.memory_space<semaphore_mem>>)
      } else {
      }
      %add3A_665 = arith.constant 8 : i32
      %add3A_666 = arith.addi %mul3A_165, %add3A_665 : i32
      %dma_wait3A_667 = arith.constant 8 : i32
      %dma_wait3A_668 = arith.constant 8 : i32
      %dma_wait3A_669 = arith.constant 0 : i32
      %dma_wait3A_670 = arith.constant 0 : i32
      %dma_wait3A_671 = tpu.memref_slice %arg6[%dma_wait3A_667, %dma_wait3A_669, %dma_wait3A_670] : memref<10x64x128xf32, #tpu.memory_space<vmem>> -> memref<1x64x128xf32, #tpu.memory_space<vmem>>
      %dma_wait3A_672 = tpu.memref_squeeze %dma_wait3A_671 : memref<1x64x128xf32, #tpu.memory_space<vmem>> -> memref<64x128xf32, #tpu.memory_space<vmem>>
      %dma_wait3A_673 = arith.constant 0 : i32
      %dma_wait3A_674 = tpu.memref_slice %arg5[%add3A_666, %dma_wait3A_673] : memref<100x64xi32, #tpu.memory_space<vmem>> -> memref<1x64xi32, #tpu.memory_space<vmem>>
      %dma_wait3A_675 = tpu.memref_squeeze %dma_wait3A_674 : memref<1x64xi32, #tpu.memory_space<vmem>> -> memref<64xi32, #tpu.memory_space<vmem>>
      %dma_wait3A_676 = arith.constant 0 : i32
      %dma_wait3A_677 = arith.constant 0 : i32
      %dma_wait3A_678 = tpu.memref_slice %arg7[%dma_wait3A_676, %dma_wait3A_677] : memref<2048x128xf32, #tpu.memory_space<vmem_shared>> -> memref<2048x128xf32, #tpu.memory_space<vmem_shared>>
      %dma_wait3A_679 = tpu.memref_slice %arg8[%dma_wait3A_668] : memref<10x!tpu.dma_semaphore, #tpu.memory_space<semaphore_mem>> -> memref<1x!tpu.dma_semaphore, #tpu.memory_space<semaphore_mem>>
      %dma_wait3A_680 = tpu.memref_squeeze %dma_wait3A_679 : memref<1x!tpu.dma_semaphore, #tpu.memory_space<semaphore_mem>> -> memref<!tpu.dma_semaphore, #tpu.memory_space<semaphore_mem>>
      tpu.wait_indirect_dma semaphore(%dma_wait3A_680 : memref<!tpu.dma_semaphore, #tpu.memory_space<semaphore_mem>>) src(%dma_wait3A_678 : memref<2048x128xf32, #tpu.memory_space<vmem_shared>>) dst(%dma_wait3A_672 : memref<64x128xf32, #tpu.memory_space<vmem>>)
      %mul3A_681 = arith.constant 64 : i32
      %mul3A_682 = arith.muli %add3A_666, %mul3A_681 : i32
      %add3A_683 = arith.addi %mul3A_2, %mul3A_682 : i32
      %dma_start3A_684 = arith.constant 8 : i32
      %dma_start3A_685 = arith.constant 8 : i32
      %dma_start3A_686 = arith.constant 0 : i32
      %dma_start3A_687 = arith.constant 0 : i32
      %dma_start3A_688 = tpu.memref_slice %arg6[%dma_start3A_684, %dma_start3A_686, %dma_start3A_687] : memref<10x64x128xf32, #tpu.memory_space<vmem>> -> memref<1x64x128xf32, #tpu.memory_space<vmem>>
      %dma_start3A_689 = tpu.memref_squeeze %dma_start3A_688 : memref<1x64x128xf32, #tpu.memory_space<vmem>> -> memref<64x128xf32, #tpu.memory_space<vmem>>
      %dma_start3A_690 = arith.constant 0 : i32
      %dma_start3A_691 = tpu.memref_slice %arg4[%add3A_683, %dma_start3A_690] : memref<204800x128xf32, #tpu.memory_space<hbm>> -> memref<64x128xf32, #tpu.memory_space<hbm>>
      %dma_start3A_692 = tpu.memref_slice %arg9[%dma_start3A_685] : memref<10x!tpu.dma_semaphore, #tpu.memory_space<semaphore_mem>> -> memref<1x!tpu.dma_semaphore, #tpu.memory_space<semaphore_mem>>
      %dma_start3A_693 = tpu.memref_squeeze %dma_start3A_692 : memref<1x!tpu.dma_semaphore, #tpu.memory_space<semaphore_mem>> -> memref<!tpu.dma_semaphore, #tpu.memory_space<semaphore_mem>>
      %dma_start3A_694 = arith.constant 0 : i32
      %dma_start3A_695 = tpu.memref_slice %arg4[%add3A_683, %dma_start3A_694] : memref<204800x128xf32, #tpu.memory_space<hbm>> -> memref<64x128xf32, #tpu.memory_space<hbm>>
      %dma_start3A_696 = arith.constant 0 : i32
      %dma_start3A_697 = arith.constant 0 : i32
      %dma_start3A_698 = tpu.memref_slice %arg6[%dma_start3A_684, %dma_start3A_696, %dma_start3A_697] : memref<10x64x128xf32, #tpu.memory_space<vmem>> -> memref<1x64x128xf32, #tpu.memory_space<vmem>>
      %dma_start3A_699 = tpu.memref_squeeze %dma_start3A_698 : memref<1x64x128xf32, #tpu.memory_space<vmem>> -> memref<64x128xf32, #tpu.memory_space<vmem>>
      tpu.enqueue_dma source(%dma_start3A_699 : memref<64x128xf32, #tpu.memory_space<vmem>>) target(%dma_start3A_695 : memref<64x128xf32, #tpu.memory_space<hbm>>) target_semaphore(%dma_start3A_693 : memref<!tpu.dma_semaphore, #tpu.memory_space<semaphore_mem>>)
      %add3A_700 = arith.constant 10 : i32
      %add3A_701 = arith.addi %add3A_666, %add3A_700 : i32
      %sub3A_702 = arith.constant 1 : i32
      %sub3A_703 = arith.subi %add3A_701, %sub3A_702 : i32
      %sub3A_704 = arith.constant 1 : i32
      %sub3A_705 = arith.subi %add3A_666, %sub3A_704 : i32
      %mul3A_706 = arith.constant 64 : i32
      %mul3A_707 = arith.muli %sub3A_705, %mul3A_706 : i32
      %add3A_708 = arith.addi %mul3A_2, %mul3A_707 : i32
      %dma_wait3A_709 = arith.constant 7 : i32
      %dma_wait3A_710 = arith.constant 7 : i32
      %dma_wait3A_711 = arith.constant 0 : i32
      %dma_wait3A_712 = arith.constant 0 : i32
      %dma_wait3A_713 = tpu.memref_slice %arg6[%dma_wait3A_709, %dma_wait3A_711, %dma_wait3A_712] : memref<10x64x128xf32, #tpu.memory_space<vmem>> -> memref<1x64x128xf32, #tpu.memory_space<vmem>>
      %dma_wait3A_714 = tpu.memref_squeeze %dma_wait3A_713 : memref<1x64x128xf32, #tpu.memory_space<vmem>> -> memref<64x128xf32, #tpu.memory_space<vmem>>
      %dma_wait3A_715 = arith.constant 0 : i32
      %dma_wait3A_716 = tpu.memref_slice %arg4[%add3A_708, %dma_wait3A_715] : memref<204800x128xf32, #tpu.memory_space<hbm>> -> memref<64x128xf32, #tpu.memory_space<hbm>>
      %dma_wait3A_717 = tpu.memref_slice %arg9[%dma_wait3A_710] : memref<10x!tpu.dma_semaphore, #tpu.memory_space<semaphore_mem>> -> memref<1x!tpu.dma_semaphore, #tpu.memory_space<semaphore_mem>>
      %dma_wait3A_718 = tpu.memref_squeeze %dma_wait3A_717 : memref<1x!tpu.dma_semaphore, #tpu.memory_space<semaphore_mem>> -> memref<!tpu.dma_semaphore, #tpu.memory_space<semaphore_mem>>
      %dma_wait3A_719 = arith.constant 0 : i32
      %dma_wait3A_720 = tpu.memref_slice %arg4[%add3A_708, %dma_wait3A_719] : memref<204800x128xf32, #tpu.memory_space<hbm>> -> memref<64x128xf32, #tpu.memory_space<hbm>>
      %dma_wait3A_721 = arith.constant 0 : i32
      %dma_wait3A_722 = arith.constant 0 : i32
      %dma_wait3A_723 = tpu.memref_slice %arg6[%dma_wait3A_709, %dma_wait3A_721, %dma_wait3A_722] : memref<10x64x128xf32, #tpu.memory_space<vmem>> -> memref<1x64x128xf32, #tpu.memory_space<vmem>>
      %dma_wait3A_724 = tpu.memref_squeeze %dma_wait3A_723 : memref<1x64x128xf32, #tpu.memory_space<vmem>> -> memref<64x128xf32, #tpu.memory_space<vmem>>
      tpu.wait_dma2 semaphore(%dma_wait3A_718 : memref<!tpu.dma_semaphore, #tpu.memory_space<semaphore_mem>>) src(%dma_wait3A_724 : memref<64x128xf32, #tpu.memory_space<vmem>>) dst(%dma_wait3A_720 : memref<64x128xf32, #tpu.memory_space<hbm>>)
      %lt3A_725 = arith.constant 100 : i32
      %lt3A_726 = arith.cmpi slt, %sub3A_703, %lt3A_725 : i32
      %convert_element_type3A_727 = arith.extui %lt3A_726 : i1 to i32
      %cond3A_728 = arith.constant 0 : i32
      %cond3A_729 = arith.cmpi ne, %convert_element_type3A_727, %cond3A_728 : i32
      scf.if %cond3A_729 {
        %dma_start3A_795 = arith.constant 7 : i32
        %dma_start3A_796 = arith.constant 7 : i32
        %dma_start3A_797 = arith.constant 0 : i32
        %dma_start3A_798 = arith.constant 0 : i32
        %dma_start3A_799 = tpu.memref_slice %arg6[%dma_start3A_795, %dma_start3A_797, %dma_start3A_798] : memref<10x64x128xf32, #tpu.memory_space<vmem>> -> memref<1x64x128xf32, #tpu.memory_space<vmem>>
        %dma_start3A_800 = tpu.memref_squeeze %dma_start3A_799 : memref<1x64x128xf32, #tpu.memory_space<vmem>> -> memref<64x128xf32, #tpu.memory_space<vmem>>
        %dma_start3A_801 = arith.constant 0 : i32
        %dma_start3A_802 = tpu.memref_slice %arg5[%sub3A_703, %dma_start3A_801] : memref<100x64xi32, #tpu.memory_space<vmem>> -> memref<1x64xi32, #tpu.memory_space<vmem>>
        %dma_start3A_803 = tpu.memref_squeeze %dma_start3A_802 : memref<1x64xi32, #tpu.memory_space<vmem>> -> memref<64xi32, #tpu.memory_space<vmem>>
        %dma_start3A_804 = arith.constant 0 : i32
        %dma_start3A_805 = arith.constant 0 : i32
        %dma_start3A_806 = tpu.memref_slice %arg7[%dma_start3A_804, %dma_start3A_805] : memref<2048x128xf32, #tpu.memory_space<vmem_shared>> -> memref<2048x128xf32, #tpu.memory_space<vmem_shared>>
        %dma_start3A_807 = tpu.memref_slice %arg8[%dma_start3A_796] : memref<10x!tpu.dma_semaphore, #tpu.memory_space<semaphore_mem>> -> memref<1x!tpu.dma_semaphore, #tpu.memory_space<semaphore_mem>>
        %dma_start3A_808 = tpu.memref_squeeze %dma_start3A_807 : memref<1x!tpu.dma_semaphore, #tpu.memory_space<semaphore_mem>> -> memref<!tpu.dma_semaphore, #tpu.memory_space<semaphore_mem>>
        tpu.enqueue_indirect_dma source(%dma_start3A_806 : memref<2048x128xf32, #tpu.memory_space<vmem_shared>>) target(%dma_start3A_800 : memref<64x128xf32, #tpu.memory_space<vmem>>) offsets(%dma_start3A_803 : memref<64xi32, #tpu.memory_space<vmem>>) semaphore(%dma_start3A_808 : memref<!tpu.dma_semaphore, #tpu.memory_space<semaphore_mem>>)
      } else {
      }
      %add3A_730 = arith.constant 9 : i32
      %add3A_731 = arith.addi %mul3A_165, %add3A_730 : i32
      %dma_wait3A_732 = arith.constant 9 : i32
      %dma_wait3A_733 = arith.constant 9 : i32
      %dma_wait3A_734 = arith.constant 0 : i32
      %dma_wait3A_735 = arith.constant 0 : i32
      %dma_wait3A_736 = tpu.memref_slice %arg6[%dma_wait3A_732, %dma_wait3A_734, %dma_wait3A_735] : memref<10x64x128xf32, #tpu.memory_space<vmem>> -> memref<1x64x128xf32, #tpu.memory_space<vmem>>
      %dma_wait3A_737 = tpu.memref_squeeze %dma_wait3A_736 : memref<1x64x128xf32, #tpu.memory_space<vmem>> -> memref<64x128xf32, #tpu.memory_space<vmem>>
      %dma_wait3A_738 = arith.constant 0 : i32
      %dma_wait3A_739 = tpu.memref_slice %arg5[%add3A_731, %dma_wait3A_738] : memref<100x64xi32, #tpu.memory_space<vmem>> -> memref<1x64xi32, #tpu.memory_space<vmem>>
      %dma_wait3A_740 = tpu.memref_squeeze %dma_wait3A_739 : memref<1x64xi32, #tpu.memory_space<vmem>> -> memref<64xi32, #tpu.memory_space<vmem>>
      %dma_wait3A_741 = arith.constant 0 : i32
      %dma_wait3A_742 = arith.constant 0 : i32
      %dma_wait3A_743 = tpu.memref_slice %arg7[%dma_wait3A_741, %dma_wait3A_742] : memref<2048x128xf32, #tpu.memory_space<vmem_shared>> -> memref<2048x128xf32, #tpu.memory_space<vmem_shared>>
      %dma_wait3A_744 = tpu.memref_slice %arg8[%dma_wait3A_733] : memref<10x!tpu.dma_semaphore, #tpu.memory_space<semaphore_mem>> -> memref<1x!tpu.dma_semaphore, #tpu.memory_space<semaphore_mem>>
      %dma_wait3A_745 = tpu.memref_squeeze %dma_wait3A_744 : memref<1x!tpu.dma_semaphore, #tpu.memory_space<semaphore_mem>> -> memref<!tpu.dma_semaphore, #tpu.memory_space<semaphore_mem>>
      tpu.wait_indirect_dma semaphore(%dma_wait3A_745 : memref<!tpu.dma_semaphore, #tpu.memory_space<semaphore_mem>>) src(%dma_wait3A_743 : memref<2048x128xf32, #tpu.memory_space<vmem_shared>>) dst(%dma_wait3A_737 : memref<64x128xf32, #tpu.memory_space<vmem>>)
      %mul3A_746 = arith.constant 64 : i32
      %mul3A_747 = arith.muli %add3A_731, %mul3A_746 : i32
      %add3A_748 = arith.addi %mul3A_2, %mul3A_747 : i32
      %dma_start3A_749 = arith.constant 9 : i32
      %dma_start3A_750 = arith.constant 9 : i32
      %dma_start3A_751 = arith.constant 0 : i32
      %dma_start3A_752 = arith.constant 0 : i32
      %dma_start3A_753 = tpu.memref_slice %arg6[%dma_start3A_749, %dma_start3A_751, %dma_start3A_752] : memref<10x64x128xf32, #tpu.memory_space<vmem>> -> memref<1x64x128xf32, #tpu.memory_space<vmem>>
      %dma_start3A_754 = tpu.memref_squeeze %dma_start3A_753 : memref<1x64x128xf32, #tpu.memory_space<vmem>> -> memref<64x128xf32, #tpu.memory_space<vmem>>
      %dma_start3A_755 = arith.constant 0 : i32
      %dma_start3A_756 = tpu.memref_slice %arg4[%add3A_748, %dma_start3A_755] : memref<204800x128xf32, #tpu.memory_space<hbm>> -> memref<64x128xf32, #tpu.memory_space<hbm>>
      %dma_start3A_757 = tpu.memref_slice %arg9[%dma_start3A_750] : memref<10x!tpu.dma_semaphore, #tpu.memory_space<semaphore_mem>> -> memref<1x!tpu.dma_semaphore, #tpu.memory_space<semaphore_mem>>
      %dma_start3A_758 = tpu.memref_squeeze %dma_start3A_757 : memref<1x!tpu.dma_semaphore, #tpu.memory_space<semaphore_mem>> -> memref<!tpu.dma_semaphore, #tpu.memory_space<semaphore_mem>>
      %dma_start3A_759 = arith.constant 0 : i32
      %dma_start3A_760 = tpu.memref_slice %arg4[%add3A_748, %dma_start3A_759] : memref<204800x128xf32, #tpu.memory_space<hbm>> -> memref<64x128xf32, #tpu.memory_space<hbm>>
      %dma_start3A_761 = arith.constant 0 : i32
      %dma_start3A_762 = arith.constant 0 : i32
      %dma_start3A_763 = tpu.memref_slice %arg6[%dma_start3A_749, %dma_start3A_761, %dma_start3A_762] : memref<10x64x128xf32, #tpu.memory_space<vmem>> -> memref<1x64x128xf32, #tpu.memory_space<vmem>>
      %dma_start3A_764 = tpu.memref_squeeze %dma_start3A_763 : memref<1x64x128xf32, #tpu.memory_space<vmem>> -> memref<64x128xf32, #tpu.memory_space<vmem>>
      tpu.enqueue_dma source(%dma_start3A_764 : memref<64x128xf32, #tpu.memory_space<vmem>>) target(%dma_start3A_760 : memref<64x128xf32, #tpu.memory_space<hbm>>) target_semaphore(%dma_start3A_758 : memref<!tpu.dma_semaphore, #tpu.memory_space<semaphore_mem>>)
      %add3A_765 = arith.constant 10 : i32
      %add3A_766 = arith.addi %add3A_731, %add3A_765 : i32
      %sub3A_767 = arith.constant 1 : i32
      %sub3A_768 = arith.subi %add3A_766, %sub3A_767 : i32
      %sub3A_769 = arith.constant 1 : i32
      %sub3A_770 = arith.subi %add3A_731, %sub3A_769 : i32
      %mul3A_771 = arith.constant 64 : i32
      %mul3A_772 = arith.muli %sub3A_770, %mul3A_771 : i32
      %add3A_773 = arith.addi %mul3A_2, %mul3A_772 : i32
      %dma_wait3A_774 = arith.constant 8 : i32
      %dma_wait3A_775 = arith.constant 8 : i32
      %dma_wait3A_776 = arith.constant 0 : i32
      %dma_wait3A_777 = arith.constant 0 : i32
      %dma_wait3A_778 = tpu.memref_slice %arg6[%dma_wait3A_774, %dma_wait3A_776, %dma_wait3A_777] : memref<10x64x128xf32, #tpu.memory_space<vmem>> -> memref<1x64x128xf32, #tpu.memory_space<vmem>>
      %dma_wait3A_779 = tpu.memref_squeeze %dma_wait3A_778 : memref<1x64x128xf32, #tpu.memory_space<vmem>> -> memref<64x128xf32, #tpu.memory_space<vmem>>
      %dma_wait3A_780 = arith.constant 0 : i32
      %dma_wait3A_781 = tpu.memref_slice %arg4[%add3A_773, %dma_wait3A_780] : memref<204800x128xf32, #tpu.memory_space<hbm>> -> memref<64x128xf32, #tpu.memory_space<hbm>>
      %dma_wait3A_782 = tpu.memref_slice %arg9[%dma_wait3A_775] : memref<10x!tpu.dma_semaphore, #tpu.memory_space<semaphore_mem>> -> memref<1x!tpu.dma_semaphore, #tpu.memory_space<semaphore_mem>>
      %dma_wait3A_783 = tpu.memref_squeeze %dma_wait3A_782 : memref<1x!tpu.dma_semaphore, #tpu.memory_space<semaphore_mem>> -> memref<!tpu.dma_semaphore, #tpu.memory_space<semaphore_mem>>
      %dma_wait3A_784 = arith.constant 0 : i32
      %dma_wait3A_785 = tpu.memref_slice %arg4[%add3A_773, %dma_wait3A_784] : memref<204800x128xf32, #tpu.memory_space<hbm>> -> memref<64x128xf32, #tpu.memory_space<hbm>>
      %dma_wait3A_786 = arith.constant 0 : i32
      %dma_wait3A_787 = arith.constant 0 : i32
      %dma_wait3A_788 = tpu.memref_slice %arg6[%dma_wait3A_774, %dma_wait3A_786, %dma_wait3A_787] : memref<10x64x128xf32, #tpu.memory_space<vmem>> -> memref<1x64x128xf32, #tpu.memory_space<vmem>>
      %dma_wait3A_789 = tpu.memref_squeeze %dma_wait3A_788 : memref<1x64x128xf32, #tpu.memory_space<vmem>> -> memref<64x128xf32, #tpu.memory_space<vmem>>
      tpu.wait_dma2 semaphore(%dma_wait3A_783 : memref<!tpu.dma_semaphore, #tpu.memory_space<semaphore_mem>>) src(%dma_wait3A_789 : memref<64x128xf32, #tpu.memory_space<vmem>>) dst(%dma_wait3A_785 : memref<64x128xf32, #tpu.memory_space<hbm>>)
      %lt3A_790 = arith.constant 100 : i32
      %lt3A_791 = arith.cmpi slt, %sub3A_768, %lt3A_790 : i32
      %convert_element_type3A_792 = arith.extui %lt3A_791 : i1 to i32
      %cond3A_793 = arith.constant 0 : i32
      %cond3A_794 = arith.cmpi ne, %convert_element_type3A_792, %cond3A_793 : i32
      scf.if %cond3A_794 {
        %dma_start3A_795 = arith.constant 8 : i32
        %dma_start3A_796 = arith.constant 8 : i32
        %dma_start3A_797 = arith.constant 0 : i32
        %dma_start3A_798 = arith.constant 0 : i32
        %dma_start3A_799 = tpu.memref_slice %arg6[%dma_start3A_795, %dma_start3A_797, %dma_start3A_798] : memref<10x64x128xf32, #tpu.memory_space<vmem>> -> memref<1x64x128xf32, #tpu.memory_space<vmem>>
        %dma_start3A_800 = tpu.memref_squeeze %dma_start3A_799 : memref<1x64x128xf32, #tpu.memory_space<vmem>> -> memref<64x128xf32, #tpu.memory_space<vmem>>
        %dma_start3A_801 = arith.constant 0 : i32
        %dma_start3A_802 = tpu.memref_slice %arg5[%sub3A_768, %dma_start3A_801] : memref<100x64xi32, #tpu.memory_space<vmem>> -> memref<1x64xi32, #tpu.memory_space<vmem>>
        %dma_start3A_803 = tpu.memref_squeeze %dma_start3A_802 : memref<1x64xi32, #tpu.memory_space<vmem>> -> memref<64xi32, #tpu.memory_space<vmem>>
        %dma_start3A_804 = arith.constant 0 : i32
        %dma_start3A_805 = arith.constant 0 : i32
        %dma_start3A_806 = tpu.memref_slice %arg7[%dma_start3A_804, %dma_start3A_805] : memref<2048x128xf32, #tpu.memory_space<vmem_shared>> -> memref<2048x128xf32, #tpu.memory_space<vmem_shared>>
        %dma_start3A_807 = tpu.memref_slice %arg8[%dma_start3A_796] : memref<10x!tpu.dma_semaphore, #tpu.memory_space<semaphore_mem>> -> memref<1x!tpu.dma_semaphore, #tpu.memory_space<semaphore_mem>>
        %dma_start3A_808 = tpu.memref_squeeze %dma_start3A_807 : memref<1x!tpu.dma_semaphore, #tpu.memory_space<semaphore_mem>> -> memref<!tpu.dma_semaphore, #tpu.memory_space<semaphore_mem>>
        tpu.enqueue_indirect_dma source(%dma_start3A_806 : memref<2048x128xf32, #tpu.memory_space<vmem_shared>>) target(%dma_start3A_800 : memref<64x128xf32, #tpu.memory_space<vmem>>) offsets(%dma_start3A_803 : memref<64xi32, #tpu.memory_space<vmem>>) semaphore(%dma_start3A_808 : memref<!tpu.dma_semaphore, #tpu.memory_space<semaphore_mem>>)
      } else {
      }
    }
    %scan3A_145 = arith.constant 10 : i32
    %add3A_146 = arith.constant 6336 : i32
    %add3A_147 = arith.addi %mul3A_2, %add3A_146 : i32
    %dma_wait3A = arith.constant 9 : i32
    %dma_wait3A_148 = arith.constant 9 : i32
    %dma_wait3A_149 = arith.constant 0 : i32
    %dma_wait3A_150 = arith.constant 0 : i32
    %dma_wait3A_151 = tpu.memref_slice %arg6[%dma_wait3A, %dma_wait3A_149, %dma_wait3A_150] : memref<10x64x128xf32, #tpu.memory_space<vmem>> -> memref<1x64x128xf32, #tpu.memory_space<vmem>>
    %dma_wait3A_152 = tpu.memref_squeeze %dma_wait3A_151 : memref<1x64x128xf32, #tpu.memory_space<vmem>> -> memref<64x128xf32, #tpu.memory_space<vmem>>
    %dma_wait3A_153 = arith.constant 0 : i32
    %dma_wait3A_154 = tpu.memref_slice %arg4[%add3A_147, %dma_wait3A_153] : memref<204800x128xf32, #tpu.memory_space<hbm>> -> memref<64x128xf32, #tpu.memory_space<hbm>>
    %dma_wait3A_155 = tpu.memref_slice %arg9[%dma_wait3A_148] : memref<10x!tpu.dma_semaphore, #tpu.memory_space<semaphore_mem>> -> memref<1x!tpu.dma_semaphore, #tpu.memory_space<semaphore_mem>>
    %dma_wait3A_156 = tpu.memref_squeeze %dma_wait3A_155 : memref<1x!tpu.dma_semaphore, #tpu.memory_space<semaphore_mem>> -> memref<!tpu.dma_semaphore, #tpu.memory_space<semaphore_mem>>
    %dma_wait3A_157 = arith.constant 0 : i32
    %dma_wait3A_158 = tpu.memref_slice %arg4[%add3A_147, %dma_wait3A_157] : memref<204800x128xf32, #tpu.memory_space<hbm>> -> memref<64x128xf32, #tpu.memory_space<hbm>>
    %dma_wait3A_159 = arith.constant 0 : i32
    %dma_wait3A_160 = arith.constant 0 : i32
    %dma_wait3A_161 = tpu.memref_slice %arg6[%dma_wait3A, %dma_wait3A_159, %dma_wait3A_160] : memref<10x64x128xf32, #tpu.memory_space<vmem>> -> memref<1x64x128xf32, #tpu.memory_space<vmem>>
    %dma_wait3A_162 = tpu.memref_squeeze %dma_wait3A_161 : memref<1x64x128xf32, #tpu.memory_space<vmem>> -> memref<64x128xf32, #tpu.memory_space<vmem>>
    tpu.wait_dma2 semaphore(%dma_wait3A_156 : memref<!tpu.dma_semaphore, #tpu.memory_space<semaphore_mem>>) src(%dma_wait3A_162 : memref<64x128xf32, #tpu.memory_space<vmem>>) dst(%dma_wait3A_158 : memref<64x128xf32, #tpu.memory_space<hbm>>)
    return
  }
}

</mosaic_0001>

<sc_bundles>
// kernel: kernel.3.cloned.1.call-start
scs
__scs_entry_jumppad:
0x0: {  	(pc) =	sbr.rel $0x88, $3  }
0x1: {  	(tag) =	ssettag $0x0;
	lr =	simm.s32 $0x1  }
0x2: {  	[smem:$0x3F9F] =	sst lr;
	_ =	strace $0xD0000000  }
0x3: {  	_ = 	snop  }
0x4: {  	_ = 	snop  }
0x5: {  	_ = 	snop  }
0x6: {  	_ = 	snop  }
0x7: {  	_ = 	snop  }
__scs_overlays_trampoline_lowered:
0x8: {  	[smem:$0x3FAE] =	sst s0  }
0x9: {  	[smem:$0x3FAF] =	sst s1  }
0xa: {  	[smem:$0x3FB0] =	sst s2  }
0xb: {  	[smem:$0x3FB1] =	sst s3  }
0xc: {  	[smem:$0x3FB2] =	sst s4  }
0xd: {  	[smem:$0x3FB3] =	sst s5  }
0xe: {  	[smem:$0x3FB4] =	sst s6  }
0xf: {  	[smem:$0x3FB5] =	sst s7  }
0x10: {  	[smem:$0x3FB6] =	sst s8  }
0x11: {  	[smem:$0x3FB7] =	sst s9;
	s0 =	simm.s32 @!p0 $0x0  }
0x12: {  	s1 =	sld [smem:$0x3F9D];
	s0 =	simm.s32 @p0 $0x1  }
0x13: {  	[smem:$0x3FB8] =	sst s0;
	s0 =	simm.s32 @!p1 $0x0  }
0x14: {  	s2 =	sld [smem:$0x3F9C];
	s0 =	simm.s32 @p1 $0x1  }
0x15: {  	[smem:$0x3FB9] =	sst s0;
	s0 =	simm.s32 @!p2 $0x0  }
0x16: {  	s3 =	sld [smem:$0x3FDB];
	s0 =	simm.s32 @p2 $0x1  }
0x17: {  	s4 =	simm.s32 $0x1BF5;
	[smem:$0x3FBB] =	sst s0  }
0x18: {  	s0 =	sld [smem:$0x3F9E];
	_ =	swait.ge [sflag:s4], $0x0  }
0x19: {  	s7 =	sld [smem:$0x3F9F]  }
0x1a: {  	s8 =	sadd.s32 $0xFFFFE003, lr  }
0x1b: {  	s9 =	sadd.s32 $0xFFFFFEF7, lr;
	s5 =	simm.s32 $0xFFFFFFFF;
	p2 =	slt.u32 s8, $0xFFFFF086  }
0x1c: {  	p1 =	slt.u32 s9, $0xF7A;
	s5 =	simm.s32 @!p2 $0x0  }
0x1d: {  	s5 =	simm.s32 @p1 $0x1;
	p0 =	seq.s32 s7, s2  }
0x1e: {  	s7 =	smul.u32 @!p0 $0xF7A, s2;
	p2 =	seq.s32 @!p0 s5, $0x0  }
0x1f: {  	s9 =	smul.u32 $0xF7A, s1;
	s8 =	simm.s32 @!p0 $0x1BF5;
	p2 =	por !p2, p0  }
0x20: {  	[sflag:s8] =	ssyncset.s32 @!p0 $0xFFFFF086;
	s6 =	sadd.s32 @!p0 s3, s7;
	s7 =	simm.s32 @!p0 $0x108  }
0x21: {  	s3 =	sadd.s32 s3, s9;
	s6 =	sadd.s32 @!p0 $0x88, s6;
	s7 =	simm.s32 @p2 $0x1082  }
0x22: {  	[simem:s7], [sflag:s8] =	dma.local @!p0 [hbm:s6], $0xF7A  }
0x23: {  	s9 =	sor.u32 $0xD0000000, s2;
	s6 =	simm.s32 $0x108;
	_ =	swait.ge @!p0 [sflag:s8], $0x0  }
0x24: {  	s3 =	sadd.s32 $0x88, s3;
	s6 =	simm.s32 @!p1 $0x1082;
	[sflag:s4] =	ssyncset.s32 $0xFFFFF086  }
0x25: {  	[simem:s6], [sflag:s4] =	dma.local [hbm:s3], $0xF7A  }
0x26: {  	[smem:$0x3F9F] =	sst s1;
	(tag) =	ssettag s2;
	_ =	strace s9  }
0x27: {  	s1 =	sld [smem:$0x3FAF]  }
0x28: {  	s2 =	sld [smem:$0x3FB0]  }
0x29: {  	s4 =	sld [smem:$0x3FB2]  }
0x2a: {  	p0 =	seq.s32 s5, $0x0;
	s5 =	sld [smem:$0x3FB3]  }
0x2b: {  	s6 =	sld [smem:$0x3FB4]  }
0x2c: {  	s7 =	sld [smem:$0x3FB5]  }
0x2d: {  	s3 =	simm.s32 $0x108;
	s8 =	sld [smem:$0x3FB6]  }
0x2e: {  	s3 =	simm.s32 @!p0 $0x1082;
	s9 =	sld [smem:$0x3FB7]  }
0x2f: {  	lr =	sadd.s32 s0, s3;
	s0 =	sld [smem:$0x3FAE]  }
0x30: {  	s3 =	sld [smem:$0x3FB1]  }
0x31: {  	[smem:$0x3FBA] =	sst s10  }
0x32: {  	s10 =	sld [smem:$0x3FB8];
	_ =	sdelay $0x3  }
0x33: {  	p0 =	seq.s32 s10, $0x1;
	s10 =	sld [smem:$0x3FBA];
	_ =	sdelay $0x3  }
0x34: {  	[smem:$0x3FBA] =	sst s10  }
0x35: {  	s10 =	sld [smem:$0x3FB9];
	_ =	sdelay $0x3  }
0x36: {  	p1 =	seq.s32 s10, $0x1;
	s10 =	sld [smem:$0x3FBA];
	_ =	sdelay $0x3  }
0x37: {  	[smem:$0x3FBA] =	sst s10  }
0x38: {  	s10 =	sld [smem:$0x3FBB]  }
0x39: {  	_ = 	snop;
	(pc) =	sbr.ind lr, $3  }
0x3a: {  	_ = 	snop  }
0x3b: {  	_ = 	snop  }
0x3c: {  	p2 =	seq.s32 s10, $0x1;
	s10 =	sld [smem:$0x3FBA]  }
0x3d: {  	_ =	shalt  }
0x3e: {  	_ =	shalt  }
0x3f: {  	_ =	shalt  }
0x40: {  	_ =	shalt  }
0x41: {  	_ =	shalt  }
0x42: {  	_ =	shalt  }
0x43: {  	_ =	shalt  }
0x44: {  	_ =	shalt  }
0x45: {  	_ =	shalt  }
0x46: {  	_ =	shalt  }
0x47: {  	_ =	shalt  }
0x48: {  	_ =	shalt  }
0x49: {  	_ =	shalt  }
0x4a: {  	_ =	shalt  }
0x4b: {  	_ =	shalt  }
0x4c: {  	_ =	shalt  }
0x4d: {  	_ =	shalt  }
0x4e: {  	_ =	shalt  }
0x4f: {  	_ =	shalt  }
0x50: {  	_ =	shalt  }
0x51: {  	_ =	shalt  }
0x52: {  	_ =	shalt  }
0x53: {  	_ =	shalt  }
0x54: {  	_ =	shalt  }
0x55: {  	_ =	shalt  }
0x56: {  	_ =	shalt  }
0x57: {  	_ =	shalt  }
0x58: {  	_ =	shalt  }
0x59: {  	_ =	shalt  }
0x5a: {  	_ =	shalt  }
0x5b: {  	_ =	shalt  }
0x5c: {  	_ =	shalt  }
0x5d: {  	_ =	shalt  }
0x5e: {  	_ =	shalt  }
0x5f: {  	_ =	shalt  }
0x60: {  	_ =	shalt  }
0x61: {  	_ =	shalt  }
0x62: {  	_ =	shalt  }
0x63: {  	_ =	shalt  }
0x64: {  	_ =	shalt  }
0x65: {  	_ =	shalt  }
0x66: {  	_ =	shalt  }
0x67: {  	_ =	shalt  }
0x68: {  	_ =	shalt  }
0x69: {  	_ =	shalt  }
0x6a: {  	_ =	shalt  }
0x6b: {  	_ =	shalt  }
0x6c: {  	_ =	shalt  }
0x6d: {  	_ =	shalt  }
0x6e: {  	_ =	shalt  }
0x6f: {  	_ =	shalt  }
0x70: {  	_ =	shalt  }
0x71: {  	_ =	shalt  }
0x72: {  	_ =	shalt  }
0x73: {  	_ =	shalt  }
0x74: {  	_ =	shalt  }
0x75: {  	_ =	shalt  }
0x76: {  	_ =	shalt  }
0x77: {  	_ =	shalt  }
0x78: {  	_ =	shalt  }
0x79: {  	_ =	shalt  }
0x7a: {  	_ =	shalt  }
0x7b: {  	_ =	shalt  }
0x7c: {  	_ =	shalt  }
0x7d: {  	_ =	shalt  }
0x7e: {  	_ =	shalt  }
0x7f: {  	_ =	shalt  }
0x80: {  	_ =	shalt  }
0x81: {  	_ =	shalt  }
0x82: {  	_ =	shalt  }
0x83: {  	_ =	shalt  }
0x84: {  	_ =	shalt  }
0x85: {  	_ =	shalt  }
0x86: {  	_ =	shalt  }
0x87: {  	_ =	shalt  }
.Lfunc_end0:
.L_simem_size_0:
called_computation_lowered:
.L_overlay_start_0:
0x88: {  	s2 =	sld [smem:$0x3FD9]  }
0x89: {  	s3 =	sld [smem:$0x3FFE];
	_ =	sdelay $0x1  }
0x8a: {  	s1 =	srdreg.scid  }
0x8b: {  	s0 =	sand.u32 $0x1, s1  }
0x8c: {  	s17 =	sshll.u32 s0, $0xA;
	s2 =	sadd.s32 s3, s2  }
0x8d: {  	s2 =	sadd.s32 s2, s17  }
0x8e: {  	[smem:$0x3FC6] =	sst s2  }
0x8f: {  	_ = 	snop  }
0x90: {  	s2 =	sld [smem:$0x3FC8]  }
0x91: {  	s18 =	sld [smem:$0x3FD0];
	(tm) =	ssettm $0x1  }
0x92: {  	s4 =	sld [smem:$0x3FFB];
	_ =	sdelay $0x3  }
0x93: {  	_ =	strace s4  }
0x94: {  	s4 =	sld [smem:$0x3FFC];
	_ =	sdelay $0x3  }
0x95: {  	_ =	strace s4  }
0x96: {  	s4 =	sld [smem:$0x3FFD];
	_ =	sdelay $0x3  }
0x97: {  	_ =	strace s4  }
0x98: {  	_ =	strace $0x8FFFFFFF  }
0x99: {  	s19 =	sld [smem:$0x3FDB];
	_ =	sdelay $0x1  }
0x9a: {  	s5 =	simm.s32 $_scs_section_size  }
0x9b: {  	s6 =	simm.s32 $_size__tile_overlayer_lowered;
	s7 =	simm.s32 $_tile_overlayer_lowered  }
0x9c: {  	s22 =	simm.s32 $0x1BFF;
	s21 =	sshll.u32 s7, $0x1;
	s4 =	sadd.s32 s5, s19  }
0x9d: {  	s8 =	simm.s32 $0x0;
	s20 =	sshll.u32 s6, $0x1;
	s6 =	sadd.s32 s21, s4  }
0x9e: {  	[timem:s8], [sflag:s22] =	dma.local [hbm:s6], s20  }
0x9f: {  	_ =	swait.ge [sflag:s22], s20  }
0xa0: {  	s5 =	ssub.s32 $0x0, s20;
	[sflag:s22] =	ssyncset.done $0x0  }
0xa1: {  	[sflag:s22] =	ssyncadd.s32 s5;
	_ =	sdelay $0x1  }
0xa2: {  	s23 =	simm.s32 $0x1B8B  }
0xa3: {  	_ =	swait.ge [sflag:s23], $0x1  }
0xa4: {  	[sflag:s23] =	ssyncset.done $0x0  }
0xa5: {  	s25 =	simm.s32 $0x1B8E;
	s24 =	sld [smem:$0x3FFE];
	[sflag:s23] =	ssyncadd.s32 $0xFFFFFFFF  }
0xa6: {  	s26 =	simm.s32 $execute0_lowered;
	[smem:$0x3FD2] =	sst s25  }
0xa7: {  	s6 =	sshll.u32 s26, $0x1;
	_ =	strace $0x80000046;
	[dreg:$0x1] =	wrdreg $0xFFFFFFFF  }
0xa8: {  	s28 =	simm.s32 $_size_execute0_lowered;
	s4 =	sadd.s32 s4, s6;
	[dreg:$0x0] =	wrdreg $0x0  }
0xa9: {  	s6 =	sshll.u32 s28, $0x1;
	[dreg:$0x2] =	wrdreg s4  }
0xaa: {  	[dreg:$0x3] =	wrdreg s6  }
0xab: {  	[dreg:$0x4] =	wrdreg $0xC0  }
0xac: {  	_ =	task [dreg:s8], $0x5FFFF  }
0xad: {  	[dreg:$0x1] =	wrdreg $0xFFFFFFFF  }
0xae: {  	[dreg:$0x0] =	wrdreg $0x60  }
0xaf: {  	[dreg:$0x2] =	wrdreg s24  }
0xb0: {  	[dreg:$0x3] =	wrdreg s2  }
0xb1: {  	[dreg:$0x4] =	wrdreg s18  }
0xb2: {  	[dreg:$0x5] =	wrdreg $0x174000  }
0xb3: {  	[dreg:$0x6] =	wrdreg $0x9  }
0xb4: {  	_ =	task.clear_ibuf [dreg:s8], $0x7FFFF;
	_ =	strace $0x90000046  }
0xb5: {  	s29 =	simm.s32 $0x9;
	_ =	strace $0x80000048  }
0xb6: {  	_ =	swait.ge [sflag:s29], $0x1  }
0xb7: {  	[sflag:s29] =	ssyncadd.s32 $0xFFFFFFFF  }
0xb8: {  	_ =	strace $0x90000048  }
0xb9: {  	_ =	sfence  }
0xba: {  	s30 =	sld [smem:$0x0];
	_ =	sdelay $0x2  }
0xbb: {  	s31 =	sshll.u32 s1, $0xD;
	s1 =	sshrl.u32 s1, $0x2  }
0xbc: {  	s3 =	sand.u32 $0x4000, s31;
	s1 =	sadd.s32 s1, s30  }
0xbd: {  	s0 =	sor.u32 s3, s0;
	s1 =	sshll.u32 s1, $0x11  }
0xbe: {  	s0 =	sor.u32 s1, s0  }
0xbf: {  	s0 =	sadd.s32 $0x8F2B, s0  }
0xc0: {  	[sflag:s0] =	ssyncadd.remote.s32 $0x1  }
0xc1: {  	_ =	sfence.sel $0xFFFF  }
0xc2: {  	[dreg:$0x0] =	wrdreg $0xFFFFFFFF;
	(pc) =	sbr.abs _section_cstart, $3  }
0xc3: {  	[dreg:$0x1] =	wrdreg $0xFFFFFFFF  }
0xc4: {  	_ =	task.clear_ibuf [dreg:s8], $0x2FFFF;
	_ =	strace $0x9FFFFFFF  }
0xc5: {  	(tm) =	ssettm $0x7FFFFFFF  }
tec
execute0_lowered:
.L_overlay_start_1:
0x0: {  	(tag) =	ssettag $0x1  }
0x1: {  	s0 =	rddreg [dreg:$0x0]  }
0x2: {  	s1 =	rddreg [dreg:$0x1];
	s2 =	srdreg.scid  }
0x3: {  	s10 =	stileid.u32;
	s3 =	rddreg [dreg:$0x3];
	s4 =	simm.s32 $0x0  }
0x4: {  	s15 =	simm.s32 $0xB;
	s17 =	simm.s32 $0x3;
	s19 =	simm.s32 $0xC  }
0x5: {  	s21 =	simm.s32 $0x4;
	s28 =	simm.s32 $0xE;
	s30 =	simm.s32 $0x6  }
0x6: {  	s11 =	simm.s32 $0x11;
	s12 =	simm.s32 $0x9;
	s14 =	simm.s32 $0x12  }
0x7: {  	s16 =	simm.s32 $0xA;
	s18 =	simm.s32 $0x13;
	s13 =	simm.s32 $0x15400  }
0x8: {  	s2 =	sand.u32 $0x1, s2;
	s5 =	sshll.u32 s10, $0x1;
	[smem:$0x7FF] =	sst s4  }
0x9: {  	s23 =	smul.u32 $0x190000, s10;
	s24 =	sshll.u32 s10, $0xE;
	s8 =	sshll.u32 s10, $0xB  }
0xa: {  	s25 =	smul.u32 $0x32000, s10;
	s26 =	sshll.u32 s10, $0x6;
	s10 =	simm.s32 $0x0  }
0xb: {  	s5 =	sor.u32 s2, s5;
	s6 =	ssub.s32 $0x2, s2;
	s9 =	smul.u32 $0xC8000, s2  }
0xc: {  	_ =	strace $0x80000047;
	s1 =	sadd.s32 s1, s8;
	s2 =	smul.u32 $0x19000, s2  }
0xd: {  	s8 =	sor.u32 $0x1C15, s26;
	s5 =	smul.u32 $0x680, s5;
	[dreg:$0x5] =	wrdreg s1  }
0xe: {  	s7 =	sshrl.u32 s6, $0x1;
	[dreg:$0x6] =	wrdreg s8;
	s8 =	simm.s32 $0x8  }
0xf: {  	s22 =	ssub.s32 s6, s7;
	s7 =	sadd.s32 s24, s3;
	s6 =	sadd.s32 s9, s23  }
0x10: {  	s1 =	sadd.s32 s2, s25;
	s2 =	simm.s32 $0x2;
	s23 =	simm.s32 $0xD  }
0x11: {  	s25 =	simm.s32 $0x5;
	s0 =	sadd.s32 s5, s0;
	s29 =	sadd.s32 $0x12000, s6  }
.Ltmp0:
0x12: {  	s5 =	smax.u32 s22, $0x1;
	[dreg:$0x9] =	wrdreg s1;
	(pc) =	sbr.rel .LBB2_1-.Ltmp0, $4  }
0x13: {  	s31 =	sshrl.u32 s7, $0x3;
	s1 =	simm.s32 $0x40;
	[dreg:$0x8] =	wrdreg s5  }
0x14: {  	s6 =	simm.s32 $0x7;
	s0 =	sadd.s32 $0x400, s0;
	[dreg:$0xb] =	wrdreg s31  }
0x15: {  	s7 =	simm.s32 $0x10;
	[dreg:$0x7] =	wrdreg s0;
	s0 =	sshrl.u32 s29, $0x3  }
0x16: {  	s5 =	simm.s32 $0xF;
	[dreg:$0xa] =	wrdreg s0;
	s0 =	simm.s32 $0x13400  }
.LBB2_4:
0x17: {  	s1 =	simm.s32 $0x14  }
0x18: {  	_ =	swait.ge [sflag:s1], $0x2000  }
0x19: {  	s10 =	rddreg [dreg:$0xc]  }
0x1a: {  	s9 =	rddreg [dreg:$0x8];
	s10 =	sadd.s32 $0x1, s10  }
0x1b: {  	p0 =	sne.s32 s10, s9  }
.Ltmp1:
0x1c: {  	_ = 	snop;
	(pc) =	sbr.rel @!p0 .LBB2_5-.Ltmp1, $3  }
0x1d: {  	_ =	sdelay $0x1  }
0x1e: {  	[sflag:s1] =	ssyncset.done $0x0  }
0x1f: {  	[sflag:s1] =	ssyncadd.s32 $0xFFFFE000;
	s1 =	simm.s32 $0x40  }
.LBB2_1:
0x20: {  	[dreg:$0xc] =	wrdreg s10  }
0x21: {  	s9 =	rddreg [dreg:$0x5]  }
0x22: {  	s31 =	rddreg [dreg:$0x6]  }
0x23: {  	s20 =	rddreg [dreg:$0xb];
	s22 =	simm.s32 $0x15  }
0x24: {  	[spmem:s20], [sflag:s31] =	dma.local [hbm:s9], $0x800  }
0x25: {  	_ =	swait.ge [sflag:s22], $0x800  }
0x26: {  	[sflag:s22] =	ssyncset.done $0x0  }
0x27: {  	s24 =	rddreg [dreg:$0x7];
	[sflag:s22] =	ssyncadd.s32 $0xFFFFF800  }
0x28: {  	[tilespmem:s4], [sflag:$0x15] =	stream.linear.gather [hbm4b:s24+s4], $0x3200, $0x38;
	[tilespmem:$0x1B400] =	vst v63  }
0x29: {  	_ =	swait.ge [sflag:s22], $0x3200  }
0x2a: {  	[sflag:s22] =	ssyncset.done $0x0  }
0x2b: {  	[sflag:s22] =	ssyncadd.s32 $0xFFFFCE00  }
0x2c: {  	s26 =	simm.s32 $0x3400;
	[bflag:$0x0] =	sbarrier.arrive $0xFFFF  }
0x2d: {  	[tilespmem:s26], [sflag:$0x1] =	stream.indirect.gather [spmem:s3], $0x80, s4, s1, $0xb8;
	[tilespmem:$0x1B400] =	vst v63  }
0x2e: {  	s29 =	simm.s32 $0x80;
	s31 =	simm.s32 $0x5400  }
0x2f: {  	[tilespmem:s31], [sflag:$0x2] =	stream.indirect.gather [spmem:s3], $0x80, s29, s1, $0xb8;
	[tilespmem:$0x1B400] =	vst v63  }
0x30: {  	s20 =	simm.s32 $0x100;
	s22 =	simm.s32 $0x7400  }
0x31: {  	[tilespmem:s22], [sflag:$0x3] =	stream.indirect.gather [spmem:s3], $0x80, s20, s1, $0xb8;
	[tilespmem:$0x1B400] =	vst v63  }
0x32: {  	s24 =	simm.s32 $0x180;
	s26 =	simm.s32 $0x9400  }
0x33: {  	[tilespmem:s26], [sflag:$0x4] =	stream.indirect.gather [spmem:s3], $0x80, s24, s1, $0xb8;
	[tilespmem:$0x1B400] =	vst v63  }
0x34: {  	s29 =	simm.s32 $0x200;
	s31 =	simm.s32 $0xB400  }
0x35: {  	[tilespmem:s31], [sflag:$0x5] =	stream.indirect.gather [spmem:s3], $0x80, s29, s1, $0xb8;
	[tilespmem:$0x1B400] =	vst v63  }
0x36: {  	s10 =	simm.s32 $0x280;
	s20 =	simm.s32 $0xD400  }
0x37: {  	[tilespmem:s20], [sflag:$0x6] =	stream.indirect.gather [spmem:s3], $0x80, s10, s1, $0xb8;
	[tilespmem:$0x1B400] =	vst v63  }
0x38: {  	s22 =	simm.s32 $0x300;
	s24 =	simm.s32 $0xF400  }
0x39: {  	[tilespmem:s24], [sflag:$0x7] =	stream.indirect.gather [spmem:s3], $0x80, s22, s1, $0xb8;
	[tilespmem:$0x1B400] =	vst v63  }
0x3a: {  	s26 =	simm.s32 $0x380;
	s29 =	simm.s32 $0x11400  }
0x3b: {  	[tilespmem:s29], [sflag:$0x8] =	stream.indirect.gather [spmem:s3], $0x80, s26, s1, $0xb8;
	[tilespmem:$0x1B400] =	vst v63  }
0x3c: {  	s31 =	simm.s32 $0x400  }
0x3d: {  	[tilespmem:s0], [sflag:$0x9] =	stream.indirect.gather [spmem:s3], $0x80, s31, s1, $0xb8;
	[tilespmem:$0x1B400] =	vst v63  }
0x3e: {  	s20 =	rddreg [dreg:$0x2];
	s22 =	simm.s32 $0x0;
	s0 =	simm.s32 $0x13400  }
.LBB2_2:
0x3f: {  	s9 =	simm.s32 $0x1  }
0x40: {  	s29 =	simm.s32 $0x3400;
	_ =	swait.ge [sflag:s9], $0x2000  }
0x41: {  	p0 =	seq.s32 s22, $0x0;
	[sflag:s9] =	ssyncset.done $0x0;
	s26 =	rddreg [dreg:$0x9]  }
0x42: {  	[sflag:s9] =	ssyncadd.s32 $0xFFFFE000;
	s26 =	sadd.s32 s20, s26;
	s9 =	simm.s32 @!p0 $0x14  }
0x43: {  	[hbm4b:s26+s4] =	stream.linear.scatter [tilespmem:s29], [sflag:$0xB], $0x2000, $0x38;
	[tilespmem:$0x1B400] =	vst v63  }
0x44: {  	_ =	swait.ge @!p0 [sflag:s9], $0x2000  }
0x45: {  	s24 =	sshra.s32 s22, $0x2;
	[sflag:s9] =	ssyncset.done @!p0 $0x0  }
0x46: {  	s31 =	sadd.s32 $0x480, s24;
	[sflag:s9] =	ssyncadd.s32 @!p0 $0xFFFFE000  }
0x47: {  	[tilespmem:s13], [sflag:$0xA] =	stream.indirect.gather [spmem:s3], $0x80, s31, s1, $0xb8;
	[tilespmem:$0x1B400] =	vst v63  }
0x48: {  	_ =	swait.ge [sflag:s2], $0x2000  }
0x49: {  	[sflag:s2] =	ssyncset.done $0x0  }
0x4a: {  	s10 =	simm.s32 $0x5400;
	s1 =	sadd.s32 $0x400, s26;
	[sflag:s2] =	ssyncadd.s32 $0xFFFFE000  }
0x4b: {  	[hbm4b:s1+s4] =	stream.linear.scatter [tilespmem:s10], [sflag:$0xC], $0x2000, $0x38;
	[tilespmem:$0x1B400] =	vst v63  }
0x4c: {  	p0 =	seq.s32 s22, $0xB400;
	_ =	swait.ge [sflag:s15], $0x2000  }
0x4d: {  	s29 =	sshra.s32 @!p0 s22, $0x2;
	s9 =	simm.s32 @!p0 $0x40;
	[sflag:s15] =	ssyncset.done $0x0  }
0x4e: {  	s31 =	simm.s32 @!p0 $0x3400;
	s10 =	sadd.s32 @!p0 $0x500, s29;
	[sflag:s15] =	ssyncadd.s32 $0xFFFFE000  }
0x4f: {  	[tilespmem:s31], [sflag:$0x1] =	stream.indirect.gather @!p0 [spmem:s3], $0x80, s10, s9, $0xb8;
	[tilespmem:$0x1B400] =	vst v63  }
0x50: {  	_ =	swait.ge [sflag:s17], $0x2000  }
0x51: {  	[sflag:s17] =	ssyncset.done $0x0  }
0x52: {  	s10 =	sadd.s32 $0x800, s26;
	s31 =	simm.s32 $0x7400;
	[sflag:s17] =	ssyncadd.s32 $0xFFFFE000  }
0x53: {  	[hbm4b:s10+s4] =	stream.linear.scatter [tilespmem:s31], [sflag:$0xD], $0x2000, $0x38;
	[tilespmem:$0x1B400] =	vst v63  }
0x54: {  	_ =	swait.ge [sflag:s19], $0x2000  }
0x55: {  	[sflag:s19] =	ssyncset.done $0x0  }
0x56: {  	s10 =	sadd.s32 @!p0 $0x580, s29;
	s31 =	simm.s32 @!p0 $0x5400;
	[sflag:s19] =	ssyncadd.s32 $0xFFFFE000  }
0x57: {  	[tilespmem:s31], [sflag:$0x2] =	stream.indirect.gather @!p0 [spmem:s3], $0x80, s10, s9, $0xb8;
	[tilespmem:$0x1B400] =	vst v63  }
0x58: {  	_ =	swait.ge [sflag:s21], $0x2000  }
0x59: {  	[sflag:s21] =	ssyncset.done $0x0  }
0x5a: {  	s10 =	sadd.s32 $0xC00, s26;
	s31 =	simm.s32 $0x9400;
	[sflag:s21] =	ssyncadd.s32 $0xFFFFE000  }
0x5b: {  	[hbm4b:s10+s4] =	stream.linear.scatter [tilespmem:s31], [sflag:$0xE], $0x2000, $0x38;
	[tilespmem:$0x1B400] =	vst v63  }
0x5c: {  	_ =	swait.ge [sflag:s23], $0x2000  }
0x5d: {  	[sflag:s23] =	ssyncset.done $0x0  }
0x5e: {  	s10 =	sadd.s32 @!p0 $0x600, s29;
	s31 =	simm.s32 @!p0 $0x7400;
	[sflag:s23] =	ssyncadd.s32 $0xFFFFE000  }
0x5f: {  	[tilespmem:s31], [sflag:$0x3] =	stream.indirect.gather @!p0 [spmem:s3], $0x80, s10, s9, $0xb8;
	[tilespmem:$0x1B400] =	vst v63  }
0x60: {  	_ =	swait.ge [sflag:s25], $0x2000  }
0x61: {  	[sflag:s25] =	ssyncset.done $0x0  }
0x62: {  	s10 =	sadd.s32 $0x1000, s26;
	s31 =	simm.s32 $0xB400;
	[sflag:s25] =	ssyncadd.s32 $0xFFFFE000  }
0x63: {  	[hbm4b:s10+s4] =	stream.linear.scatter [tilespmem:s31], [sflag:$0xF], $0x2000, $0x38;
	[tilespmem:$0x1B400] =	vst v63  }
0x64: {  	_ =	swait.ge [sflag:s28], $0x2000  }
0x65: {  	[sflag:s28] =	ssyncset.done $0x0  }
0x66: {  	s10 =	sadd.s32 @!p0 $0x680, s29;
	s31 =	simm.s32 @!p0 $0x9400;
	[sflag:s28] =	ssyncadd.s32 $0xFFFFE000  }
0x67: {  	[tilespmem:s31], [sflag:$0x4] =	stream.indirect.gather @!p0 [spmem:s3], $0x80, s10, s9, $0xb8;
	[tilespmem:$0x1B400] =	vst v63  }
0x68: {  	_ =	swait.ge [sflag:s30], $0x2000  }
0x69: {  	[sflag:s30] =	ssyncset.done $0x0  }
0x6a: {  	s10 =	sadd.s32 $0x1400, s26;
	s31 =	simm.s32 $0xD400;
	[sflag:s30] =	ssyncadd.s32 $0xFFFFE000  }
0x6b: {  	[hbm4b:s10+s4] =	stream.linear.scatter [tilespmem:s31], [sflag:$0x10], $0x2000, $0x38;
	[tilespmem:$0x1B400] =	vst v63  }
0x6c: {  	_ =	swait.ge [sflag:s5], $0x2000  }
0x6d: {  	[sflag:s5] =	ssyncset.done $0x0  }
0x6e: {  	s10 =	sadd.s32 @!p0 $0x700, s29;
	s31 =	simm.s32 @!p0 $0xB400;
	[sflag:s5] =	ssyncadd.s32 $0xFFFFE000  }
0x6f: {  	[tilespmem:s31], [sflag:$0x5] =	stream.indirect.gather @!p0 [spmem:s3], $0x80, s10, s9, $0xb8;
	[tilespmem:$0x1B400] =	vst v63  }
0x70: {  	_ =	swait.ge [sflag:s6], $0x2000  }
0x71: {  	[sflag:s6] =	ssyncset.done $0x0  }
0x72: {  	s10 =	sadd.s32 $0x1800, s26;
	s31 =	simm.s32 $0xF400;
	[sflag:s6] =	ssyncadd.s32 $0xFFFFE000  }
0x73: {  	[hbm4b:s10+s4] =	stream.linear.scatter [tilespmem:s31], [sflag:$0x11], $0x2000, $0x38;
	[tilespmem:$0x1B400] =	vst v63  }
0x74: {  	_ =	swait.ge [sflag:s7], $0x2000  }
0x75: {  	[sflag:s7] =	ssyncset.done $0x0  }
0x76: {  	s10 =	sadd.s32 @!p0 $0x780, s29;
	s31 =	simm.s32 @!p0 $0xD400;
	[sflag:s7] =	ssyncadd.s32 $0xFFFFE000  }
0x77: {  	[tilespmem:s31], [sflag:$0x6] =	stream.indirect.gather @!p0 [spmem:s3], $0x80, s10, s9, $0xb8;
	[tilespmem:$0x1B400] =	vst v63  }
0x78: {  	_ =	swait.ge [sflag:s8], $0x2000  }
0x79: {  	[sflag:s8] =	ssyncset.done $0x0  }
0x7a: {  	s10 =	sadd.s32 $0x1C00, s26;
	s31 =	simm.s32 $0x11400;
	[sflag:s8] =	ssyncadd.s32 $0xFFFFE000  }
0x7b: {  	[hbm4b:s10+s4] =	stream.linear.scatter [tilespmem:s31], [sflag:$0x12], $0x2000, $0x38;
	[tilespmem:$0x1B400] =	vst v63  }
0x7c: {  	_ =	swait.ge [sflag:s11], $0x2000  }
0x7d: {  	[sflag:s11] =	ssyncset.done $0x0  }
0x7e: {  	s10 =	sadd.s32 @!p0 $0x800, s29;
	s31 =	simm.s32 @!p0 $0xF400;
	[sflag:s11] =	ssyncadd.s32 $0xFFFFE000  }
0x7f: {  	[tilespmem:s31], [sflag:$0x7] =	stream.indirect.gather @!p0 [spmem:s3], $0x80, s10, s9, $0xb8;
	[tilespmem:$0x1B400] =	vst v63  }
0x80: {  	_ =	swait.ge [sflag:s12], $0x2000  }
0x81: {  	[sflag:s12] =	ssyncset.done $0x0  }
0x82: {  	s26 =	sadd.s32 $0x2000, s26;
	[sflag:s12] =	ssyncadd.s32 $0xFFFFE000  }
0x83: {  	[hbm4b:s26+s4] =	stream.linear.scatter [tilespmem:s0], [sflag:$0x13], $0x2000, $0x38;
	[tilespmem:$0x1B400] =	vst v63  }
0x84: {  	_ =	swait.ge [sflag:s14], $0x2000  }
0x85: {  	[sflag:s14] =	ssyncset.done $0x0  }
0x86: {  	s10 =	sadd.s32 @!p0 $0x880, s29;
	s26 =	simm.s32 @!p0 $0x11400;
	[sflag:s14] =	ssyncadd.s32 $0xFFFFE000  }
0x87: {  	[tilespmem:s26], [sflag:$0x8] =	stream.indirect.gather @!p0 [spmem:s3], $0x80, s10, s9, $0xb8;
	[tilespmem:$0x1B400] =	vst v63  }
0x88: {  	_ =	swait.ge [sflag:s16], $0x2000  }
0x89: {  	[sflag:s16] =	ssyncset.done $0x0;
	s31 =	rddreg [dreg:$0xa]  }
.Ltmp2:
0x8a: {  	[sflag:s16] =	ssyncadd.s32 $0xFFFFE000;
	s9 =	sadd.s32 s20, s31;
	(pc) =	sbr.rel @p0 .LBB2_4-.Ltmp2, $4  }
0x8b: {  	[hbm4b:s9+s4] =	stream.linear.scatter [tilespmem:s13], [sflag:$0x14], $0x2000, $0x38;
	[tilespmem:$0x1B400] =	vst v63  }
0x8c: {  	_ =	swait.ge [sflag:s18], $0x2000  }
0x8d: {  	[sflag:s18] =	ssyncset.done $0x0  }
0x8e: {  	s1 =	simm.s32 $0x40;
	s0 =	simm.s32 $0x13400;
	[sflag:s18] =	ssyncadd.s32 $0xFFFFE000  }
.Ltmp3:
0x8f: {  	(pc) =	sbr.rel .LBB2_2-.Ltmp3, $4  }
0x90: {  	_ = 	snop  }
0x91: {  	s9 =	sadd.s32 $0x900, s24;
	s22 =	sadd.s32 $0x1400, s22  }
0x92: {  	[tilespmem:s0], [sflag:$0x9] =	stream.indirect.gather [spmem:s3], $0x80, s9, s1, $0xb8;
	[tilespmem:$0x1B400] =	vst v63  }
0x93: {  	s20 =	sadd.s32 $0x2800, s20;
	s0 =	simm.s32 $0x13400;
	s1 =	simm.s32 $0x40  }
.LBB2_5:
0x94: {  	_ =	sfence.sel $0x180000  }
0x95: {  	[bflag:$0x0] =	sbarrier.arrive $0xFFFF  }
0x96: {  	_ =	strace $0x90000047  }
0x97: {  	s0 =	stileid.u32;
	[bflag:$0x2] =	sbarrier.arrive $0xFFFF  }
0x98: {  	p0 =	sne.s32 s0, $0x0;
	s0 =	rddreg [dreg:$0x4]  }
0x99: {  	s0 =	sadd.s32 @!p0 $0x100000, s0  }
0x9a: {  	[sflag:s0] =	ssyncadd.tile.s32 @!p0 $0x1;
	_ =	shalt  }
.Lfunc_end2:
_tile_overlayer_lowered:
.L_overlay_start_2:
0x9b: {  	(tag) =	ssettag $0x2  }
0x9c: {  	s0 =	rddreg [dreg:$0x0];
	s2 =	stileid.u32  }
0x9d: {  	s1 =	rddreg [dreg:$0x1];
	p0 =	sne.s32 s2, $0x0  }
0x9e: {  	s3 =	rddreg [dreg:$0x2];
	[bflag:$0x3] =	sbarrier.arrive $0xFFFF;
	s2 =	simm.s32 @!p0 $0x1C15  }
0x9f: {  	[timem:s3], [sflag:s2] =	dma.local @!p0 [hbm:s0], s1  }
0xa0: {  	s0 =	simm.s32 @!p0 $0x15  }
0xa1: {  	_ =	swait.ge @!p0 [sflag:s0], s1  }
0xa2: {  	s1 =	ssub.s32 @!p0 $0x0, s1;
	[sflag:s0] =	ssyncset.done @!p0 $0x0  }
0xa3: {  	[sflag:s0] =	ssyncadd.s32 @!p0 s1  }
0xa4: {  	[bflag:$0x3] =	sbarrier.arrive $0xFFFF  }
0xa5: {  	_ =	shalt  }

</sc_bundles>
